<compile_context>
chip_gen: v7x
topology: tpu7x:2x2x1
jax: 0.10.2.dev20260603
libtpu: 0.0.44.dev20260713+nightly
codegen_flags: <defaults>
</compile_context>

<pallas_src>
import functools

import jax
import jax.numpy as jnp
from jax import lax
from jax.experimental import pallas as pl
from jax.experimental.pallas import tpu as pltpu
from jax.experimental.pallas import tpu_sc as plsc

N = 10000
E = 320000
H = 128
FE = 16

def _rne_bf16(x):
    u = jax.lax.bitcast_convert_type(x, jnp.uint32)
    r = (u + jnp.uint32(0x7FFF) + ((u >> 16) & jnp.uint32(1))) \
        & jnp.uint32(0xFFFF0000)
    return jax.lax.bitcast_convert_type(r, jnp.float32)


NC = 2
NS = 16
NW = NC * NS
CHUNK = 128
STEPS = -(-E // (NW * CHUNK))
EPAD = NW * STEPS * CHUNK
NP = NS * 640
RPT = NP // NS
AW = 128


def _seg_sum_h(h, src3, dst3, zeros_h):
    mesh = plsc.VectorSubcoreMesh(core_axis_name="c", subcore_axis_name="s")

    @functools.partial(
        pl.kernel,
        out_type=jax.ShapeDtypeStruct((NC, NP, H), jnp.float32),
        mesh=mesh,
        scratch_types=[
            pltpu.VMEM((CHUNK, H), jnp.float32),
            pltpu.VMEM((STEPS, CHUNK), jnp.int32),
            pltpu.VMEM((STEPS, CHUNK), jnp.int32),
            pltpu.VMEM_SHARED((NP, H), jnp.float32),
            pltpu.SemaphoreType.DMA,
        ],
    )
    def k(h_hbm, src_hbm, dst_hbm, z_hbm, out_hbm, rows_v, src_v, dst_v,
          acc_s, sem):
        c = lax.axis_index("c")
        s = lax.axis_index("s")
        wid = c * NS + s
        pltpu.sync_copy(z_hbm, acc_s.at[pl.ds(s * RPT, RPT)])
        pltpu.sync_copy(src_hbm.at[wid], src_v)
        pltpu.sync_copy(dst_hbm.at[wid], dst_v)
        plsc.subcore_barrier()

        def body(j, carry):
            pltpu.async_copy(h_hbm.at[src_v.at[j]], rows_v, sem).wait()
            pltpu.sync_copy(rows_v, acc_s.at[dst_v.at[j]], add=True)
            return carry

        lax.fori_loop(0, STEPS, body, 0)
        plsc.subcore_barrier()
        pltpu.sync_copy(acc_s.at[pl.ds(s * RPT, RPT)],
                        out_hbm.at[c, pl.ds(s * RPT, RPT)])

    return k(h, src3, dst3, zeros_h)


def _seg_sum_attr(attr4, dst3, zeros_a):
    mesh = plsc.VectorSubcoreMesh(core_axis_name="c", subcore_axis_name="s")

    @functools.partial(
        pl.kernel,
        out_type=jax.ShapeDtypeStruct((NC, NP, AW), jnp.float32),
        mesh=mesh,
        scratch_types=[
            pltpu.VMEM((CHUNK, AW), jnp.float32),
            pltpu.VMEM((STEPS, CHUNK), jnp.int32),
            pltpu.VMEM_SHARED((NP, AW), jnp.float32),
            pltpu.SemaphoreType.DMA,
        ],
    )
    def k(a_hbm, dst_hbm, z_hbm, out_hbm, rows_v, dst_v, acc_s, sem):
        c = lax.axis_index("c")
        s = lax.axis_index("s")
        wid = c * NS + s
        pltpu.sync_copy(z_hbm, acc_s.at[pl.ds(s * RPT, RPT)])
        pltpu.sync_copy(dst_hbm.at[wid], dst_v)
        plsc.subcore_barrier()

        def body(j, carry):
            pltpu.sync_copy(a_hbm.at[wid, j], rows_v)
            pltpu.sync_copy(rows_v, acc_s.at[dst_v.at[j]], add=True)
            return carry

        lax.fori_loop(0, STEPS, body, 0)
        plsc.subcore_barrier()
        pltpu.sync_copy(acc_s.at[pl.ds(s * RPT, RPT)],
                        out_hbm.at[c, pl.ds(s * RPT, RPT)])

    return k(attr4, dst3, zeros_a)


BN = 2000


def _dense_round_body(h_ref, p_ref, ead_ref, w1_ref, w2_ref, w3_ref, bm_ref,
                      wih_ref, whh_ref, bih_ref, bhh_ref, out_ref):
    hp = jax.lax.Precision.HIGHEST
    f32 = jnp.float32
    bf = jnp.bfloat16

    def bdot(a, b):
        return jnp.dot(a.astype(bf), b.astype(bf), preferred_element_type=f32)

    def rdot(a, b):
        return jnp.dot(a, b, precision=hp)

    h = h_ref[...]
    ssum = p_ref[0] + p_ref[1]
    ead = ead_ref[0] + ead_ref[1]
    ea = ead[:, :FE]
    deg = ead[:, FE:FE + 1]
    hw1 = bdot(h, w1_ref[...])
    a = (deg * (hw1 + bm_ref[...])
         + rdot(ssum, w2_ref[...])
         + rdot(ea, w3_ref[...]))
    gi = bdot(a, wih_ref[...]) + bih_ref[...]
    gh = bdot(h, whh_ref[...]) + bhh_ref[...]
    r = jax.nn.sigmoid(gi[:, :H] + gh[:, :H])
    z = jax.nn.sigmoid(gi[:, H:2 * H] + gh[:, H:2 * H])
    n = jnp.tanh(gi[:, 2 * H:] + r * gh[:, 2 * H:])
    out_ref[...] = (1.0 - z) * n + z * h


def _dense_round(h, parts, ead, w1, w2, w3, bm, wih, whh, bih, bhh):
    grid = N // BN
    return pl.pallas_call(
        _dense_round_body,
        grid=(grid,),
        in_specs=[
            pl.BlockSpec((BN, H), lambda i: (i, 0)),
            pl.BlockSpec((NC, BN, H), lambda i: (0, i, 0)),
            pl.BlockSpec((NC, BN, AW), lambda i: (0, i, 0)),
            pl.BlockSpec((H, 2 * H), lambda i: (0, 0)),
            pl.BlockSpec((H, 2 * H), lambda i: (0, 0)),
            pl.BlockSpec((FE, 2 * H), lambda i: (0, 0)),
            pl.BlockSpec((1, 2 * H), lambda i: (0, 0)),
            pl.BlockSpec((2 * H, 3 * H), lambda i: (0, 0)),
            pl.BlockSpec((H, 3 * H), lambda i: (0, 0)),
            pl.BlockSpec((1, 3 * H), lambda i: (0, 0)),
            pl.BlockSpec((1, 3 * H), lambda i: (0, 0)),
        ],
        out_specs=pl.BlockSpec((BN, H), lambda i: (i, 0)),
        out_shape=jax.ShapeDtypeStruct((N, H), jnp.float32),
    )(h, parts, ead, w1, w2, w3, bm, wih, whh, bih, bhh)


def kernel(x, edge_index, edge_attr, W_msg, b_msg, W_ih, W_hh, b_ih, b_hh):
    src = edge_index[0].astype(jnp.int32)
    dst = edge_index[1].astype(jnp.int32)
    pad = EPAD - E
    src3 = jnp.concatenate([src, jnp.zeros((pad,), jnp.int32)]
                           ).reshape(NW, STEPS, CHUNK)
    dst3 = jnp.concatenate([dst, jnp.full((pad,), N, jnp.int32)]
                           ).reshape(NW, STEPS, CHUNK)
    ones = jnp.ones((E, 1), jnp.float32)
    attr_r = _rne_bf16(edge_attr)
    attr = jnp.concatenate(
        [attr_r, ones, jnp.zeros((E, AW - FE - 1), jnp.float32)], axis=1)
    attr4 = jnp.concatenate([attr, jnp.zeros((pad, AW), jnp.float32)]
                            ).reshape(NW, STEPS, CHUNK, AW)
    zeros_h = jnp.zeros((RPT, H), jnp.float32)
    zeros_a = jnp.zeros((RPT, AW), jnp.float32)

    ead = _seg_sum_attr(attr4, dst3, zeros_a)
    dep = jnp.minimum(jnp.abs(ead[0, 0, 0]), 0.0)
    zeros_dep = zeros_h + dep

    h = x
    T = W_msg.shape[0]
    for t in range(T):
        hb = _rne_bf16(h)
        parts = _seg_sum_h(hb, src3, dst3, zeros_dep if t == 0 else zeros_h)
        w1 = W_msg[t, :H]
        w2 = _rne_bf16(W_msg[t, H:2 * H])
        w3 = _rne_bf16(W_msg[t, 2 * H:])
        h = _dense_round(h, parts, ead, w1, w2, w3,
                         b_msg[t].reshape(1, 2 * H), W_ih[t], W_hh[t],
                         b_ih[t].reshape(1, 3 * H), b_hh[t].reshape(1, 3 * H))
    return h

# --- scband reference (transcript-rebuilt; emitter-appended) ---
"""Pipeline reference for scband-graph-prop-10892037063246 (READ-ONLY COPY).

The authoritative reference and input builder live on the scoring server;
editing this copy changes nothing except your own understanding.
"""

import jax, jax.numpy as jnp
import numpy as np

N = 10000
E = 320000
H = 128
FE = 16
T = 2


def setup_inputs(seed: int = 0) -> dict:
    key = jax.random.key(seed)
    ks = jax.random.split(key, 10)
    x = jax.random.normal(ks[0], (N, H), dtype=jnp.float32)
    edge_index = jax.random.randint(ks[1], (2, E), 0, N, dtype=jnp.int64)
    edge_attr = jax.random.normal(ks[2], (E, FE), dtype=jnp.float32)
    # message_funcs[t]: Linear(2H + FE -> 2H); stored as (in, out) for x @ W + b
    W_msg = jax.random.normal(ks[3], (T, 2 * H + FE, 2 * H), dtype=jnp.float32) * 0.05
    b_msg = jax.random.normal(ks[4], (T, 2 * H), dtype=jnp.float32) * 0.05
    # node_update_funcs[t]: GRUCell(input=2H, hidden=H); stored as (in, 3H)/(H, 3H)
    W_ih = jax.random.normal(ks[5], (T, 2 * H, 3 * H), dtype=jnp.float32) * 0.05
    W_hh = jax.random.normal(ks[6], (T, H, 3 * H), dtype=jnp.float32) * 0.05
    b_ih = jax.random.normal(ks[7], (T, 3 * H), dtype=jnp.float32) * 0.05
    b_hh = jax.random.normal(ks[8], (T, 3 * H), dtype=jnp.float32) * 0.05
    return {"x": x, "edge_index": edge_index, "edge_attr": edge_attr,
            "W_msg": W_msg, "b_msg": b_msg, "W_ih": W_ih, "W_hh": W_hh,
            "b_ih": b_ih, "b_hh": b_hh}


def _gru_cell(a, h, Wih, Whh, bih, bhh):
    gi = a @ Wih + bih
    gh = h @ Whh + bhh
    i_r, i_z, i_n = jnp.split(gi, 3, axis=1)
    h_r, h_z, h_n = jnp.split(gh, 3, axis=1)
    r = jax.nn.sigmoid(i_r + h_r)
    z = jax.nn.sigmoid(i_z + h_z)
    n = jnp.tanh(i_n + r * h_n)
    return (1.0 - z) * n + z * h


def reference(x, edge_index, edge_attr, W_msg, b_msg, W_ih, W_hh, b_ih, b_hh):
    # DGMG-style propagation (flat-tensor translation of the DGL GraphProp):
    # per edge u->v: m = [h_u, e_uv]; reduce at v: a_v = sum_edges Linear_t([h_v, h_u, e_uv]);
    # node update: h_v = GRUCell_t(a_v, h_v). Nodes with no in-edges get a_v = 0.
    src = edge_index[0]
    dst = edge_index[1]
    h = x
    n_nodes = x.shape[0]
    for t in range(W_msg.shape[0]):
        h_src = jnp.take(h, src, axis=0)
        h_dst = jnp.take(h, dst, axis=0)
        msg_in = jnp.concatenate([h_dst, h_src, edge_attr], axis=1)
        per_edge = msg_in @ W_msg[t] + b_msg[t]
        a = jax.ops.segment_sum(per_edge, dst, num_segments=n_nodes)
        h = _gru_cell(a, h, W_ih[t], W_hh[t], b_ih[t], b_hh[t])
    return h

if __name__ == "__main__":
    import jax
    _d = setup_inputs()
    print(jax.jit(kernel)(*tuple(_d.values())))

</pallas_src>

<mosaic_0001>
#map = affine_map<(d0, d1) -> (0, 0)>
#map1 = affine_map<(d0, d1) -> (0, 0, 0)>
module attributes {stable_mosaic.version = 14 : i64} {
  func.func @k(%arg0: i32, %arg1: i32, %arg2: memref<10000x128xf32, #tpu.memory_space<hbm>>, %arg3: memref<32x79x128xi32, #tpu.memory_space<hbm>>, %arg4: memref<32x79x128xi32, #tpu.memory_space<hbm>>, %arg5: memref<640x128xf32, #tpu.memory_space<hbm>>, %arg6: memref<2x10240x128xf32, #tpu.memory_space<hbm>>, %arg7: memref<128x128xf32, #tpu.memory_space<vmem>>, %arg8: memref<79x128xi32, #tpu.memory_space<vmem>>, %arg9: memref<79x128xi32, #tpu.memory_space<vmem>>, %arg10: memref<10240x128xf32, #tpu.memory_space<vmem_shared>>, %arg11: memref<!tpu.dma_semaphore, #tpu.memory_space<semaphore_mem>>) attributes {dimension_semantics = [#tpu.dimension_semantics<core_parallel>, #tpu.dimension_semantics<subcore_parallel>], iteration_bounds = array<i64: 2, 16>, scalar_prefetch = 0 : i64, scratch_operands = 5 : i64, tpu.core_type = #tpu.core_type<sc_vector_subcore>, window_params = [{transform_indices = #map}, {transform_indices = #map1}, {transform_indices = #map1}, {transform_indices = #map}, {transform_indices = #map1}]} {
    %mul3A = arith.constant 16 : i32
    %mul3A_0 = arith.muli %arg0, %mul3A : i32
    %add3A = arith.addi %mul3A_0, %arg1 : i32
    %mul3A_1 = arith.constant 640 : i32
    %mul3A_2 = arith.muli %arg1, %mul3A_1 : i32
    "tpu.region"() ({
      %run_scoped3A = tpu.sem_alloc : memref<!tpu.dma_semaphore, #tpu.memory_space<semaphore_mem>>
      %dma_start3A = arith.constant 0 : i32
      %dma_start3A_13 = tpu.memref_slice %arg10[%mul3A_2, %dma_start3A] : memref<10240x128xf32, #tpu.memory_space<vmem_shared>> -> memref<640x128xf32, #tpu.memory_space<vmem_shared>>
      tpu.enqueue_dma source(%arg5 : memref<640x128xf32, #tpu.memory_space<hbm>>) target(%dma_start3A_13 : memref<640x128xf32, #tpu.memory_space<vmem_shared>>) target_semaphore(%run_scoped3A : memref<!tpu.dma_semaphore, #tpu.memory_space<semaphore_mem>>)
      %dma_wait3A = arith.constant 0 : i32
      %dma_wait3A_14 = tpu.memref_slice %arg10[%mul3A_2, %dma_wait3A] : memref<10240x128xf32, #tpu.memory_space<vmem_shared>> -> memref<640x128xf32, #tpu.memory_space<vmem_shared>>
      tpu.wait_dma2 semaphore(%run_scoped3A : memref<!tpu.dma_semaphore, #tpu.memory_space<semaphore_mem>>) src(%arg5 : memref<640x128xf32, #tpu.memory_space<hbm>>) dst(%dma_wait3A_14 : memref<640x128xf32, #tpu.memory_space<vmem_shared>>)
      tpu.yield
    }) : () -> ()
    "tpu.region"() ({
      %run_scoped3A = tpu.sem_alloc : memref<!tpu.dma_semaphore, #tpu.memory_space<semaphore_mem>>
      %dma_start3A = arith.constant 0 : i32
      %dma_start3A_13 = arith.constant 0 : i32
      %dma_start3A_14 = tpu.memref_slice %arg3[%add3A, %dma_start3A, %dma_start3A_13] : memref<32x79x128xi32, #tpu.memory_space<hbm>> -> memref<1x79x128xi32, #tpu.memory_space<hbm>>
      %dma_start3A_15 = tpu.memref_squeeze %dma_start3A_14 : memref<1x79x128xi32, #tpu.memory_space<hbm>> -> memref<79x128xi32, #tpu.memory_space<hbm>>
      %dma_start3A_16 = arith.constant 0 : i32
      %dma_start3A_17 = arith.constant 0 : i32
      %dma_start3A_18 = tpu.memref_slice %arg3[%add3A, %dma_start3A_16, %dma_start3A_17] : memref<32x79x128xi32, #tpu.memory_space<hbm>> -> memref<1x79x128xi32, #tpu.memory_space<hbm>>
      %dma_start3A_19 = tpu.memref_squeeze %dma_start3A_18 : memref<1x79x128xi32, #tpu.memory_space<hbm>> -> memref<79x128xi32, #tpu.memory_space<hbm>>
      tpu.enqueue_dma source(%dma_start3A_19 : memref<79x128xi32, #tpu.memory_space<hbm>>) target(%arg8 : memref<79x128xi32, #tpu.memory_space<vmem>>) target_semaphore(%run_scoped3A : memref<!tpu.dma_semaphore, #tpu.memory_space<semaphore_mem>>)
      %dma_wait3A = arith.constant 0 : i32
      %dma_wait3A_20 = arith.constant 0 : i32
      %dma_wait3A_21 = tpu.memref_slice %arg3[%add3A, %dma_wait3A, %dma_wait3A_20] : memref<32x79x128xi32, #tpu.memory_space<hbm>> -> memref<1x79x128xi32, #tpu.memory_space<hbm>>
      %dma_wait3A_22 = tpu.memref_squeeze %dma_wait3A_21 : memref<1x79x128xi32, #tpu.memory_space<hbm>> -> memref<79x128xi32, #tpu.memory_space<hbm>>
      %dma_wait3A_23 = arith.constant 0 : i32
      %dma_wait3A_24 = arith.constant 0 : i32
      %dma_wait3A_25 = tpu.memref_slice %arg3[%add3A, %dma_wait3A_23, %dma_wait3A_24] : memref<32x79x128xi32, #tpu.memory_space<hbm>> -> memref<1x79x128xi32, #tpu.memory_space<hbm>>
      %dma_wait3A_26 = tpu.memref_squeeze %dma_wait3A_25 : memref<1x79x128xi32, #tpu.memory_space<hbm>> -> memref<79x128xi32, #tpu.memory_space<hbm>>
      tpu.wait_dma2 semaphore(%run_scoped3A : memref<!tpu.dma_semaphore, #tpu.memory_space<semaphore_mem>>) src(%dma_wait3A_26 : memref<79x128xi32, #tpu.memory_space<hbm>>) dst(%arg8 : memref<79x128xi32, #tpu.memory_space<vmem>>)
      tpu.yield
    }) : () -> ()
    "tpu.region"() ({
      %run_scoped3A = tpu.sem_alloc : memref<!tpu.dma_semaphore, #tpu.memory_space<semaphore_mem>>
      %dma_start3A = arith.constant 0 : i32
      %dma_start3A_13 = arith.constant 0 : i32
      %dma_start3A_14 = tpu.memref_slice %arg4[%add3A, %dma_start3A, %dma_start3A_13] : memref<32x79x128xi32, #tpu.memory_space<hbm>> -> memref<1x79x128xi32, #tpu.memory_space<hbm>>
      %dma_start3A_15 = tpu.memref_squeeze %dma_start3A_14 : memref<1x79x128xi32, #tpu.memory_space<hbm>> -> memref<79x128xi32, #tpu.memory_space<hbm>>
      %dma_start3A_16 = arith.constant 0 : i32
      %dma_start3A_17 = arith.constant 0 : i32
      %dma_start3A_18 = tpu.memref_slice %arg4[%add3A, %dma_start3A_16, %dma_start3A_17] : memref<32x79x128xi32, #tpu.memory_space<hbm>> -> memref<1x79x128xi32, #tpu.memory_space<hbm>>
      %dma_start3A_19 = tpu.memref_squeeze %dma_start3A_18 : memref<1x79x128xi32, #tpu.memory_space<hbm>> -> memref<79x128xi32, #tpu.memory_space<hbm>>
      tpu.enqueue_dma source(%dma_start3A_19 : memref<79x128xi32, #tpu.memory_space<hbm>>) target(%arg9 : memref<79x128xi32, #tpu.memory_space<vmem>>) target_semaphore(%run_scoped3A : memref<!tpu.dma_semaphore, #tpu.memory_space<semaphore_mem>>)
      %dma_wait3A = arith.constant 0 : i32
      %dma_wait3A_20 = arith.constant 0 : i32
      %dma_wait3A_21 = tpu.memref_slice %arg4[%add3A, %dma_wait3A, %dma_wait3A_20] : memref<32x79x128xi32, #tpu.memory_space<hbm>> -> memref<1x79x128xi32, #tpu.memory_space<hbm>>
      %dma_wait3A_22 = tpu.memref_squeeze %dma_wait3A_21 : memref<1x79x128xi32, #tpu.memory_space<hbm>> -> memref<79x128xi32, #tpu.memory_space<hbm>>
      %dma_wait3A_23 = arith.constant 0 : i32
      %dma_wait3A_24 = arith.constant 0 : i32
      %dma_wait3A_25 = tpu.memref_slice %arg4[%add3A, %dma_wait3A_23, %dma_wait3A_24] : memref<32x79x128xi32, #tpu.memory_space<hbm>> -> memref<1x79x128xi32, #tpu.memory_space<hbm>>
      %dma_wait3A_26 = tpu.memref_squeeze %dma_wait3A_25 : memref<1x79x128xi32, #tpu.memory_space<hbm>> -> memref<79x128xi32, #tpu.memory_space<hbm>>
      tpu.wait_dma2 semaphore(%run_scoped3A : memref<!tpu.dma_semaphore, #tpu.memory_space<semaphore_mem>>) src(%dma_wait3A_26 : memref<79x128xi32, #tpu.memory_space<hbm>>) dst(%arg9 : memref<79x128xi32, #tpu.memory_space<vmem>>)
      tpu.yield
    }) : () -> ()
    %barrier3A = arith.constant 0 : index
    tpu.barrier barrier_id(%barrier3A)
    %scan3A = arith.constant 0 : i32
    %scan3A_3 = arith.constant 0 : i32
    %scan3A_4 = arith.constant 79 : i32
    %scan3A_5 = arith.addi %scan3A_3, %scan3A_4 : i32
    %scan3A_6 = arith.constant 1 : i32
    scf.for %scan3A_13 = %scan3A_3 to %scan3A_5 step %scan3A_6  : i32 {
      %dma_start3A = arith.constant 0 : i32
      %dma_start3A_14 = tpu.memref_slice %arg8[%scan3A_13, %dma_start3A] : memref<79x128xi32, #tpu.memory_space<vmem>> -> memref<1x128xi32, #tpu.memory_space<vmem>>
      %dma_start3A_15 = tpu.memref_squeeze %dma_start3A_14 : memref<1x128xi32, #tpu.memory_space<vmem>> -> memref<128xi32, #tpu.memory_space<vmem>>
      %dma_start3A_16 = arith.constant 0 : i32
      %dma_start3A_17 = arith.constant 0 : i32
      %dma_start3A_18 = tpu.memref_slice %arg2[%dma_start3A_16, %dma_start3A_17] : memref<10000x128xf32, #tpu.memory_space<hbm>> -> memref<10000x128xf32, #tpu.memory_space<hbm>>
      tpu.enqueue_indirect_dma source(%dma_start3A_18 : memref<10000x128xf32, #tpu.memory_space<hbm>>) target(%arg7 : memref<128x128xf32, #tpu.memory_space<vmem>>) offsets(%dma_start3A_15 : memref<128xi32, #tpu.memory_space<vmem>>) semaphore(%arg11 : memref<!tpu.dma_semaphore, #tpu.memory_space<semaphore_mem>>)
      %dma_wait3A = arith.constant 0 : i32
      %dma_wait3A_19 = tpu.memref_slice %arg8[%scan3A_13, %dma_wait3A] : memref<79x128xi32, #tpu.memory_space<vmem>> -> memref<1x128xi32, #tpu.memory_space<vmem>>
      %dma_wait3A_20 = tpu.memref_squeeze %dma_wait3A_19 : memref<1x128xi32, #tpu.memory_space<vmem>> -> memref<128xi32, #tpu.memory_space<vmem>>
      %dma_wait3A_21 = arith.constant 0 : i32
      %dma_wait3A_22 = arith.constant 0 : i32
      %dma_wait3A_23 = tpu.memref_slice %arg2[%dma_wait3A_21, %dma_wait3A_22] : memref<10000x128xf32, #tpu.memory_space<hbm>> -> memref<10000x128xf32, #tpu.memory_space<hbm>>
      tpu.wait_indirect_dma semaphore(%arg11 : memref<!tpu.dma_semaphore, #tpu.memory_space<semaphore_mem>>) src(%dma_wait3A_23 : memref<10000x128xf32, #tpu.memory_space<hbm>>) dst(%arg7 : memref<128x128xf32, #tpu.memory_space<vmem>>)
      "tpu.region"() ({
        %run_scoped3A = tpu.sem_alloc : memref<!tpu.dma_semaphore, #tpu.memory_space<semaphore_mem>>
        %dma_start3A_24 = arith.constant 0 : i32
        %dma_start3A_25 = tpu.memref_slice %arg9[%scan3A_13, %dma_start3A_24] : memref<79x128xi32, #tpu.memory_space<vmem>> -> memref<1x128xi32, #tpu.memory_space<vmem>>
        %dma_start3A_26 = tpu.memref_squeeze %dma_start3A_25 : memref<1x128xi32, #tpu.memory_space<vmem>> -> memref<128xi32, #tpu.memory_space<vmem>>
        %dma_start3A_27 = arith.constant 0 : i32
        %dma_start3A_28 = arith.constant 0 : i32
        %dma_start3A_29 = tpu.memref_slice %arg10[%dma_start3A_27, %dma_start3A_28] : memref<10240x128xf32, #tpu.memory_space<vmem_shared>> -> memref<10240x128xf32, #tpu.memory_space<vmem_shared>>
        tpu.enqueue_indirect_dma source(%arg7 : memref<128x128xf32, #tpu.memory_space<vmem>>) target(%dma_start3A_29 : memref<10240x128xf32, #tpu.memory_space<vmem_shared>>) offsets(%dma_start3A_26 : memref<128xi32, #tpu.memory_space<vmem>>) semaphore(%run_scoped3A : memref<!tpu.dma_semaphore, #tpu.memory_space<semaphore_mem>>) {add = true}
        %dma_wait3A_30 = arith.constant 0 : i32
        %dma_wait3A_31 = tpu.memref_slice %arg9[%scan3A_13, %dma_wait3A_30] : memref<79x128xi32, #tpu.memory_space<vmem>> -> memref<1x128xi32, #tpu.memory_space<vmem>>
        %dma_wait3A_32 = tpu.memref_squeeze %dma_wait3A_31 : memref<1x128xi32, #tpu.memory_space<vmem>> -> memref<128xi32, #tpu.memory_space<vmem>>
        %dma_wait3A_33 = arith.constant 0 : i32
        %dma_wait3A_34 = arith.constant 0 : i32
        %dma_wait3A_35 = tpu.memref_slice %arg10[%dma_wait3A_33, %dma_wait3A_34] : memref<10240x128xf32, #tpu.memory_space<vmem_shared>> -> memref<10240x128xf32, #tpu.memory_space<vmem_shared>>
        tpu.wait_indirect_dma semaphore(%run_scoped3A : memref<!tpu.dma_semaphore, #tpu.memory_space<semaphore_mem>>) src(%arg7 : memref<128x128xf32, #tpu.memory_space<vmem>>) dst(%dma_wait3A_35 : memref<10240x128xf32, #tpu.memory_space<vmem_shared>>)
        tpu.yield
      }) : () -> ()
    }
    %scan3A_7 = arith.constant 79 : i32
    %barrier3A_8 = arith.constant 0 : index
    tpu.barrier barrier_id(%barrier3A_8)
    %mul3A_9 = arith.constant 640 : i32
    %mul3A_10 = arith.muli %arg1, %mul3A_9 : i32
    %mul3A_11 = arith.constant 640 : i32
    %mul3A_12 = arith.muli %arg1, %mul3A_11 : i32
    "tpu.region"() ({
      %run_scoped3A = tpu.sem_alloc : memref<!tpu.dma_semaphore, #tpu.memory_space<semaphore_mem>>
      %dma_start3A = arith.constant 0 : i32
      %dma_start3A_13 = tpu.memref_slice %arg6[%arg0, %mul3A_12, %dma_start3A] : memref<2x10240x128xf32, #tpu.memory_space<hbm>> -> memref<1x640x128xf32, #tpu.memory_space<hbm>>
      %dma_start3A_14 = tpu.memref_squeeze %dma_start3A_13 : memref<1x640x128xf32, #tpu.memory_space<hbm>> -> memref<640x128xf32, #tpu.memory_space<hbm>>
      %dma_start3A_15 = arith.constant 0 : i32
      %dma_start3A_16 = tpu.memref_slice %arg10[%mul3A_10, %dma_start3A_15] : memref<10240x128xf32, #tpu.memory_space<vmem_shared>> -> memref<640x128xf32, #tpu.memory_space<vmem_shared>>
      tpu.enqueue_dma source(%dma_start3A_16 : memref<640x128xf32, #tpu.memory_space<vmem_shared>>) target(%dma_start3A_14 : memref<640x128xf32, #tpu.memory_space<hbm>>) target_semaphore(%run_scoped3A : memref<!tpu.dma_semaphore, #tpu.memory_space<semaphore_mem>>)
      %dma_wait3A = arith.constant 0 : i32
      %dma_wait3A_17 = tpu.memref_slice %arg6[%arg0, %mul3A_12, %dma_wait3A] : memref<2x10240x128xf32, #tpu.memory_space<hbm>> -> memref<1x640x128xf32, #tpu.memory_space<hbm>>
      %dma_wait3A_18 = tpu.memref_squeeze %dma_wait3A_17 : memref<1x640x128xf32, #tpu.memory_space<hbm>> -> memref<640x128xf32, #tpu.memory_space<hbm>>
      %dma_wait3A_19 = arith.constant 0 : i32
      %dma_wait3A_20 = tpu.memref_slice %arg10[%mul3A_10, %dma_wait3A_19] : memref<10240x128xf32, #tpu.memory_space<vmem_shared>> -> memref<640x128xf32, #tpu.memory_space<vmem_shared>>
      tpu.wait_dma2 semaphore(%run_scoped3A : memref<!tpu.dma_semaphore, #tpu.memory_space<semaphore_mem>>) src(%dma_wait3A_20 : memref<640x128xf32, #tpu.memory_space<vmem_shared>>) dst(%dma_wait3A_18 : memref<640x128xf32, #tpu.memory_space<hbm>>)
      tpu.yield
    }) : () -> ()
    return
  }
}

#map = affine_map<(d0, d1) -> (0, 0)>
#map1 = affine_map<(d0, d1) -> (0, 0, 0)>
module attributes {stable_mosaic.version = 14 : i64} {
  func.func @k(%arg0: i32, %arg1: i32, %arg2: memref<10000x128xf32, #tpu.memory_space<hbm>>, %arg3: memref<32x79x128xi32, #tpu.memory_space<hbm>>, %arg4: memref<32x79x128xi32, #tpu.memory_space<hbm>>, %arg5: memref<640x128xf32, #tpu.memory_space<hbm>>, %arg6: memref<2x10240x128xf32, #tpu.memory_space<hbm>>, %arg7: memref<128x128xf32, #tpu.memory_space<vmem>>, %arg8: memref<79x128xi32, #tpu.memory_space<vmem>>, %arg9: memref<79x128xi32, #tpu.memory_space<vmem>>, %arg10: memref<10240x128xf32, #tpu.memory_space<vmem_shared>>, %arg11: memref<!tpu.dma_semaphore, #tpu.memory_space<semaphore_mem>>) attributes {dimension_semantics = [#tpu.dimension_semantics<core_parallel>, #tpu.dimension_semantics<subcore_parallel>], iteration_bounds = array<i64: 2, 16>, scalar_prefetch = 0 : i64, scratch_operands = 5 : i64, tpu.core_type = #tpu.core_type<sc_vector_subcore>, window_params = [{transform_indices = #map}, {transform_indices = #map1}, {transform_indices = #map1}, {transform_indices = #map}, {transform_indices = #map1}]} {
    %mul3A = arith.constant 16 : i32
    %mul3A_0 = arith.muli %arg0, %mul3A : i32
    %add3A = arith.addi %mul3A_0, %arg1 : i32
    %mul3A_1 = arith.constant 640 : i32
    %mul3A_2 = arith.muli %arg1, %mul3A_1 : i32
    "tpu.region"() ({
      %run_scoped3A = tpu.sem_alloc : memref<!tpu.dma_semaphore, #tpu.memory_space<semaphore_mem>>
      %dma_start3A = arith.constant 0 : i32
      %dma_start3A_13 = tpu.memref_slice %arg10[%mul3A_2, %dma_start3A] : memref<10240x128xf32, #tpu.memory_space<vmem_shared>> -> memref<640x128xf32, #tpu.memory_space<vmem_shared>>
      tpu.enqueue_dma source(%arg5 : memref<640x128xf32, #tpu.memory_space<hbm>>) target(%dma_start3A_13 : memref<640x128xf32, #tpu.memory_space<vmem_shared>>) target_semaphore(%run_scoped3A : memref<!tpu.dma_semaphore, #tpu.memory_space<semaphore_mem>>)
      %dma_wait3A = arith.constant 0 : i32
      %dma_wait3A_14 = tpu.memref_slice %arg10[%mul3A_2, %dma_wait3A] : memref<10240x128xf32, #tpu.memory_space<vmem_shared>> -> memref<640x128xf32, #tpu.memory_space<vmem_shared>>
      tpu.wait_dma2 semaphore(%run_scoped3A : memref<!tpu.dma_semaphore, #tpu.memory_space<semaphore_mem>>) src(%arg5 : memref<640x128xf32, #tpu.memory_space<hbm>>) dst(%dma_wait3A_14 : memref<640x128xf32, #tpu.memory_space<vmem_shared>>)
      tpu.yield
    }) : () -> ()
    "tpu.region"() ({
      %run_scoped3A = tpu.sem_alloc : memref<!tpu.dma_semaphore, #tpu.memory_space<semaphore_mem>>
      %dma_start3A = arith.constant 0 : i32
      %dma_start3A_13 = arith.constant 0 : i32
      %dma_start3A_14 = tpu.memref_slice %arg3[%add3A, %dma_start3A, %dma_start3A_13] : memref<32x79x128xi32, #tpu.memory_space<hbm>> -> memref<1x79x128xi32, #tpu.memory_space<hbm>>
      %dma_start3A_15 = tpu.memref_squeeze %dma_start3A_14 : memref<1x79x128xi32, #tpu.memory_space<hbm>> -> memref<79x128xi32, #tpu.memory_space<hbm>>
      %dma_start3A_16 = arith.constant 0 : i32
      %dma_start3A_17 = arith.constant 0 : i32
      %dma_start3A_18 = tpu.memref_slice %arg3[%add3A, %dma_start3A_16, %dma_start3A_17] : memref<32x79x128xi32, #tpu.memory_space<hbm>> -> memref<1x79x128xi32, #tpu.memory_space<hbm>>
      %dma_start3A_19 = tpu.memref_squeeze %dma_start3A_18 : memref<1x79x128xi32, #tpu.memory_space<hbm>> -> memref<79x128xi32, #tpu.memory_space<hbm>>
      tpu.enqueue_dma source(%dma_start3A_19 : memref<79x128xi32, #tpu.memory_space<hbm>>) target(%arg8 : memref<79x128xi32, #tpu.memory_space<vmem>>) target_semaphore(%run_scoped3A : memref<!tpu.dma_semaphore, #tpu.memory_space<semaphore_mem>>)
      %dma_wait3A = arith.constant 0 : i32
      %dma_wait3A_20 = arith.constant 0 : i32
      %dma_wait3A_21 = tpu.memref_slice %arg3[%add3A, %dma_wait3A, %dma_wait3A_20] : memref<32x79x128xi32, #tpu.memory_space<hbm>> -> memref<1x79x128xi32, #tpu.memory_space<hbm>>
      %dma_wait3A_22 = tpu.memref_squeeze %dma_wait3A_21 : memref<1x79x128xi32, #tpu.memory_space<hbm>> -> memref<79x128xi32, #tpu.memory_space<hbm>>
      %dma_wait3A_23 = arith.constant 0 : i32
      %dma_wait3A_24 = arith.constant 0 : i32
      %dma_wait3A_25 = tpu.memref_slice %arg3[%add3A, %dma_wait3A_23, %dma_wait3A_24] : memref<32x79x128xi32, #tpu.memory_space<hbm>> -> memref<1x79x128xi32, #tpu.memory_space<hbm>>
      %dma_wait3A_26 = tpu.memref_squeeze %dma_wait3A_25 : memref<1x79x128xi32, #tpu.memory_space<hbm>> -> memref<79x128xi32, #tpu.memory_space<hbm>>
      tpu.wait_dma2 semaphore(%run_scoped3A : memref<!tpu.dma_semaphore, #tpu.memory_space<semaphore_mem>>) src(%dma_wait3A_26 : memref<79x128xi32, #tpu.memory_space<hbm>>) dst(%arg8 : memref<79x128xi32, #tpu.memory_space<vmem>>)
      tpu.yield
    }) : () -> ()
    "tpu.region"() ({
      %run_scoped3A = tpu.sem_alloc : memref<!tpu.dma_semaphore, #tpu.memory_space<semaphore_mem>>
      %dma_start3A = arith.constant 0 : i32
      %dma_start3A_13 = arith.constant 0 : i32
      %dma_start3A_14 = tpu.memref_slice %arg4[%add3A, %dma_start3A, %dma_start3A_13] : memref<32x79x128xi32, #tpu.memory_space<hbm>> -> memref<1x79x128xi32, #tpu.memory_space<hbm>>
      %dma_start3A_15 = tpu.memref_squeeze %dma_start3A_14 : memref<1x79x128xi32, #tpu.memory_space<hbm>> -> memref<79x128xi32, #tpu.memory_space<hbm>>
      %dma_start3A_16 = arith.constant 0 : i32
      %dma_start3A_17 = arith.constant 0 : i32
      %dma_start3A_18 = tpu.memref_slice %arg4[%add3A, %dma_start3A_16, %dma_start3A_17] : memref<32x79x128xi32, #tpu.memory_space<hbm>> -> memref<1x79x128xi32, #tpu.memory_space<hbm>>
      %dma_start3A_19 = tpu.memref_squeeze %dma_start3A_18 : memref<1x79x128xi32, #tpu.memory_space<hbm>> -> memref<79x128xi32, #tpu.memory_space<hbm>>
      tpu.enqueue_dma source(%dma_start3A_19 : memref<79x128xi32, #tpu.memory_space<hbm>>) target(%arg9 : memref<79x128xi32, #tpu.memory_space<vmem>>) target_semaphore(%run_scoped3A : memref<!tpu.dma_semaphore, #tpu.memory_space<semaphore_mem>>)
      %dma_wait3A = arith.constant 0 : i32
      %dma_wait3A_20 = arith.constant 0 : i32
      %dma_wait3A_21 = tpu.memref_slice %arg4[%add3A, %dma_wait3A, %dma_wait3A_20] : memref<32x79x128xi32, #tpu.memory_space<hbm>> -> memref<1x79x128xi32, #tpu.memory_space<hbm>>
      %dma_wait3A_22 = tpu.memref_squeeze %dma_wait3A_21 : memref<1x79x128xi32, #tpu.memory_space<hbm>> -> memref<79x128xi32, #tpu.memory_space<hbm>>
      %dma_wait3A_23 = arith.constant 0 : i32
      %dma_wait3A_24 = arith.constant 0 : i32
      %dma_wait3A_25 = tpu.memref_slice %arg4[%add3A, %dma_wait3A_23, %dma_wait3A_24] : memref<32x79x128xi32, #tpu.memory_space<hbm>> -> memref<1x79x128xi32, #tpu.memory_space<hbm>>
      %dma_wait3A_26 = tpu.memref_squeeze %dma_wait3A_25 : memref<1x79x128xi32, #tpu.memory_space<hbm>> -> memref<79x128xi32, #tpu.memory_space<hbm>>
      tpu.wait_dma2 semaphore(%run_scoped3A : memref<!tpu.dma_semaphore, #tpu.memory_space<semaphore_mem>>) src(%dma_wait3A_26 : memref<79x128xi32, #tpu.memory_space<hbm>>) dst(%arg9 : memref<79x128xi32, #tpu.memory_space<vmem>>)
      tpu.yield
    }) : () -> ()
    %barrier3A = arith.constant 0 : index
    tpu.barrier barrier_id(%barrier3A)
    %scan3A = arith.constant 0 : i32
    %scan3A_3 = arith.constant 0 : i32
    %scan3A_4 = arith.constant 79 : i32
    %scan3A_5 = arith.addi %scan3A_3, %scan3A_4 : i32
    %scan3A_6 = arith.constant 1 : i32
    scf.for %scan3A_13 = %scan3A_3 to %scan3A_5 step %scan3A_6  : i32 {
      %dma_start3A = arith.constant 0 : i32
      %dma_start3A_14 = tpu.memref_slice %arg8[%scan3A_13, %dma_start3A] : memref<79x128xi32, #tpu.memory_space<vmem>> -> memref<1x128xi32, #tpu.memory_space<vmem>>
      %dma_start3A_15 = tpu.memref_squeeze %dma_start3A_14 : memref<1x128xi32, #tpu.memory_space<vmem>> -> memref<128xi32, #tpu.memory_space<vmem>>
      %dma_start3A_16 = arith.constant 0 : i32
      %dma_start3A_17 = arith.constant 0 : i32
      %dma_start3A_18 = tpu.memref_slice %arg2[%dma_start3A_16, %dma_start3A_17] : memref<10000x128xf32, #tpu.memory_space<hbm>> -> memref<10000x128xf32, #tpu.memory_space<hbm>>
      tpu.enqueue_indirect_dma source(%dma_start3A_18 : memref<10000x128xf32, #tpu.memory_space<hbm>>) target(%arg7 : memref<128x128xf32, #tpu.memory_space<vmem>>) offsets(%dma_start3A_15 : memref<128xi32, #tpu.memory_space<vmem>>) semaphore(%arg11 : memref<!tpu.dma_semaphore, #tpu.memory_space<semaphore_mem>>)
      %dma_wait3A = arith.constant 0 : i32
      %dma_wait3A_19 = tpu.memref_slice %arg8[%scan3A_13, %dma_wait3A] : memref<79x128xi32, #tpu.memory_space<vmem>> -> memref<1x128xi32, #tpu.memory_space<vmem>>
      %dma_wait3A_20 = tpu.memref_squeeze %dma_wait3A_19 : memref<1x128xi32, #tpu.memory_space<vmem>> -> memref<128xi32, #tpu.memory_space<vmem>>
      %dma_wait3A_21 = arith.constant 0 : i32
      %dma_wait3A_22 = arith.constant 0 : i32
      %dma_wait3A_23 = tpu.memref_slice %arg2[%dma_wait3A_21, %dma_wait3A_22] : memref<10000x128xf32, #tpu.memory_space<hbm>> -> memref<10000x128xf32, #tpu.memory_space<hbm>>
      tpu.wait_indirect_dma semaphore(%arg11 : memref<!tpu.dma_semaphore, #tpu.memory_space<semaphore_mem>>) src(%dma_wait3A_23 : memref<10000x128xf32, #tpu.memory_space<hbm>>) dst(%arg7 : memref<128x128xf32, #tpu.memory_space<vmem>>)
      "tpu.region"() ({
        %run_scoped3A = tpu.sem_alloc : memref<!tpu.dma_semaphore, #tpu.memory_space<semaphore_mem>>
        %dma_start3A_24 = arith.constant 0 : i32
        %dma_start3A_25 = tpu.memref_slice %arg9[%scan3A_13, %dma_start3A_24] : memref<79x128xi32, #tpu.memory_space<vmem>> -> memref<1x128xi32, #tpu.memory_space<vmem>>
        %dma_start3A_26 = tpu.memref_squeeze %dma_start3A_25 : memref<1x128xi32, #tpu.memory_space<vmem>> -> memref<128xi32, #tpu.memory_space<vmem>>
        %dma_start3A_27 = arith.constant 0 : i32
        %dma_start3A_28 = arith.constant 0 : i32
        %dma_start3A_29 = tpu.memref_slice %arg10[%dma_start3A_27, %dma_start3A_28] : memref<10240x128xf32, #tpu.memory_space<vmem_shared>> -> memref<10240x128xf32, #tpu.memory_space<vmem_shared>>
        tpu.enqueue_indirect_dma source(%arg7 : memref<128x128xf32, #tpu.memory_space<vmem>>) target(%dma_start3A_29 : memref<10240x128xf32, #tpu.memory_space<vmem_shared>>) offsets(%dma_start3A_26 : memref<128xi32, #tpu.memory_space<vmem>>) semaphore(%run_scoped3A : memref<!tpu.dma_semaphore, #tpu.memory_space<semaphore_mem>>) {add = true}
        %dma_wait3A_30 = arith.constant 0 : i32
        %dma_wait3A_31 = tpu.memref_slice %arg9[%scan3A_13, %dma_wait3A_30] : memref<79x128xi32, #tpu.memory_space<vmem>> -> memref<1x128xi32, #tpu.memory_space<vmem>>
        %dma_wait3A_32 = tpu.memref_squeeze %dma_wait3A_31 : memref<1x128xi32, #tpu.memory_space<vmem>> -> memref<128xi32, #tpu.memory_space<vmem>>
        %dma_wait3A_33 = arith.constant 0 : i32
        %dma_wait3A_34 = arith.constant 0 : i32
        %dma_wait3A_35 = tpu.memref_slice %arg10[%dma_wait3A_33, %dma_wait3A_34] : memref<10240x128xf32, #tpu.memory_space<vmem_shared>> -> memref<10240x128xf32, #tpu.memory_space<vmem_shared>>
        tpu.wait_indirect_dma semaphore(%run_scoped3A : memref<!tpu.dma_semaphore, #tpu.memory_space<semaphore_mem>>) src(%arg7 : memref<128x128xf32, #tpu.memory_space<vmem>>) dst(%dma_wait3A_35 : memref<10240x128xf32, #tpu.memory_space<vmem_shared>>)
        tpu.yield
      }) : () -> ()
    }
    %scan3A_7 = arith.constant 79 : i32
    %barrier3A_8 = arith.constant 0 : index
    tpu.barrier barrier_id(%barrier3A_8)
    %mul3A_9 = arith.constant 640 : i32
    %mul3A_10 = arith.muli %arg1, %mul3A_9 : i32
    %mul3A_11 = arith.constant 640 : i32
    %mul3A_12 = arith.muli %arg1, %mul3A_11 : i32
    "tpu.region"() ({
      %run_scoped3A = tpu.sem_alloc : memref<!tpu.dma_semaphore, #tpu.memory_space<semaphore_mem>>
      %dma_start3A = arith.constant 0 : i32
      %dma_start3A_13 = tpu.memref_slice %arg6[%arg0, %mul3A_12, %dma_start3A] : memref<2x10240x128xf32, #tpu.memory_space<hbm>> -> memref<1x640x128xf32, #tpu.memory_space<hbm>>
      %dma_start3A_14 = tpu.memref_squeeze %dma_start3A_13 : memref<1x640x128xf32, #tpu.memory_space<hbm>> -> memref<640x128xf32, #tpu.memory_space<hbm>>
      %dma_start3A_15 = arith.constant 0 : i32
      %dma_start3A_16 = tpu.memref_slice %arg10[%mul3A_10, %dma_start3A_15] : memref<10240x128xf32, #tpu.memory_space<vmem_shared>> -> memref<640x128xf32, #tpu.memory_space<vmem_shared>>
      tpu.enqueue_dma source(%dma_start3A_16 : memref<640x128xf32, #tpu.memory_space<vmem_shared>>) target(%dma_start3A_14 : memref<640x128xf32, #tpu.memory_space<hbm>>) target_semaphore(%run_scoped3A : memref<!tpu.dma_semaphore, #tpu.memory_space<semaphore_mem>>)
      %dma_wait3A = arith.constant 0 : i32
      %dma_wait3A_17 = tpu.memref_slice %arg6[%arg0, %mul3A_12, %dma_wait3A] : memref<2x10240x128xf32, #tpu.memory_space<hbm>> -> memref<1x640x128xf32, #tpu.memory_space<hbm>>
      %dma_wait3A_18 = tpu.memref_squeeze %dma_wait3A_17 : memref<1x640x128xf32, #tpu.memory_space<hbm>> -> memref<640x128xf32, #tpu.memory_space<hbm>>
      %dma_wait3A_19 = arith.constant 0 : i32
      %dma_wait3A_20 = tpu.memref_slice %arg10[%mul3A_10, %dma_wait3A_19] : memref<10240x128xf32, #tpu.memory_space<vmem_shared>> -> memref<640x128xf32, #tpu.memory_space<vmem_shared>>
      tpu.wait_dma2 semaphore(%run_scoped3A : memref<!tpu.dma_semaphore, #tpu.memory_space<semaphore_mem>>) src(%dma_wait3A_20 : memref<640x128xf32, #tpu.memory_space<vmem_shared>>) dst(%dma_wait3A_18 : memref<640x128xf32, #tpu.memory_space<hbm>>)
      tpu.yield
    }) : () -> ()
    return
  }
}

#map = affine_map<(d0, d1) -> (0, 0, 0, 0)>
#map1 = affine_map<(d0, d1) -> (0, 0, 0)>
#map2 = affine_map<(d0, d1) -> (0, 0)>
module attributes {stable_mosaic.version = 14 : i64} {
  func.func @k(%arg0: i32, %arg1: i32, %arg2: memref<32x79x128x128xf32, #tpu.memory_space<hbm>>, %arg3: memref<32x79x128xi32, #tpu.memory_space<hbm>>, %arg4: memref<640x128xf32, #tpu.memory_space<hbm>>, %arg5: memref<2x10240x128xf32, #tpu.memory_space<hbm>>, %arg6: memref<128x128xf32, #tpu.memory_space<vmem>>, %arg7: memref<79x128xi32, #tpu.memory_space<vmem>>, %arg8: memref<10240x128xf32, #tpu.memory_space<vmem_shared>>, %arg9: memref<!tpu.dma_semaphore, #tpu.memory_space<semaphore_mem>>) attributes {dimension_semantics = [#tpu.dimension_semantics<core_parallel>, #tpu.dimension_semantics<subcore_parallel>], iteration_bounds = array<i64: 2, 16>, scalar_prefetch = 0 : i64, scratch_operands = 4 : i64, tpu.core_type = #tpu.core_type<sc_vector_subcore>, window_params = [{transform_indices = #map}, {transform_indices = #map1}, {transform_indices = #map2}, {transform_indices = #map1}]} {
    %mul3A = arith.constant 16 : i32
    %mul3A_0 = arith.muli %arg0, %mul3A : i32
    %add3A = arith.addi %mul3A_0, %arg1 : i32
    %mul3A_1 = arith.constant 640 : i32
    %mul3A_2 = arith.muli %arg1, %mul3A_1 : i32
    "tpu.region"() ({
      %run_scoped3A = tpu.sem_alloc : memref<!tpu.dma_semaphore, #tpu.memory_space<semaphore_mem>>
      %dma_start3A = arith.constant 0 : i32
      %dma_start3A_13 = tpu.memref_slice %arg8[%mul3A_2, %dma_start3A] : memref<10240x128xf32, #tpu.memory_space<vmem_shared>> -> memref<640x128xf32, #tpu.memory_space<vmem_shared>>
      tpu.enqueue_dma source(%arg4 : memref<640x128xf32, #tpu.memory_space<hbm>>) target(%dma_start3A_13 : memref<640x128xf32, #tpu.memory_space<vmem_shared>>) target_semaphore(%run_scoped3A : memref<!tpu.dma_semaphore, #tpu.memory_space<semaphore_mem>>)
      %dma_wait3A = arith.constant 0 : i32
      %dma_wait3A_14 = tpu.memref_slice %arg8[%mul3A_2, %dma_wait3A] : memref<10240x128xf32, #tpu.memory_space<vmem_shared>> -> memref<640x128xf32, #tpu.memory_space<vmem_shared>>
      tpu.wait_dma2 semaphore(%run_scoped3A : memref<!tpu.dma_semaphore, #tpu.memory_space<semaphore_mem>>) src(%arg4 : memref<640x128xf32, #tpu.memory_space<hbm>>) dst(%dma_wait3A_14 : memref<640x128xf32, #tpu.memory_space<vmem_shared>>)
      tpu.yield
    }) : () -> ()
    "tpu.region"() ({
      %run_scoped3A = tpu.sem_alloc : memref<!tpu.dma_semaphore, #tpu.memory_space<semaphore_mem>>
      %dma_start3A = arith.constant 0 : i32
      %dma_start3A_13 = arith.constant 0 : i32
      %dma_start3A_14 = tpu.memref_slice %arg3[%add3A, %dma_start3A, %dma_start3A_13] : memref<32x79x128xi32, #tpu.memory_space<hbm>> -> memref<1x79x128xi32, #tpu.memory_space<hbm>>
      %dma_start3A_15 = tpu.memref_squeeze %dma_start3A_14 : memref<1x79x128xi32, #tpu.memory_space<hbm>> -> memref<79x128xi32, #tpu.memory_space<hbm>>
      %dma_start3A_16 = arith.constant 0 : i32
      %dma_start3A_17 = arith.constant 0 : i32
      %dma_start3A_18 = tpu.memref_slice %arg3[%add3A, %dma_start3A_16, %dma_start3A_17] : memref<32x79x128xi32, #tpu.memory_space<hbm>> -> memref<1x79x128xi32, #tpu.memory_space<hbm>>
      %dma_start3A_19 = tpu.memref_squeeze %dma_start3A_18 : memref<1x79x128xi32, #tpu.memory_space<hbm>> -> memref<79x128xi32, #tpu.memory_space<hbm>>
      tpu.enqueue_dma source(%dma_start3A_19 : memref<79x128xi32, #tpu.memory_space<hbm>>) target(%arg7 : memref<79x128xi32, #tpu.memory_space<vmem>>) target_semaphore(%run_scoped3A : memref<!tpu.dma_semaphore, #tpu.memory_space<semaphore_mem>>)
      %dma_wait3A = arith.constant 0 : i32
      %dma_wait3A_20 = arith.constant 0 : i32
      %dma_wait3A_21 = tpu.memref_slice %arg3[%add3A, %dma_wait3A, %dma_wait3A_20] : memref<32x79x128xi32, #tpu.memory_space<hbm>> -> memref<1x79x128xi32, #tpu.memory_space<hbm>>
      %dma_wait3A_22 = tpu.memref_squeeze %dma_wait3A_21 : memref<1x79x128xi32, #tpu.memory_space<hbm>> -> memref<79x128xi32, #tpu.memory_space<hbm>>
      %dma_wait3A_23 = arith.constant 0 : i32
      %dma_wait3A_24 = arith.constant 0 : i32
      %dma_wait3A_25 = tpu.memref_slice %arg3[%add3A, %dma_wait3A_23, %dma_wait3A_24] : memref<32x79x128xi32, #tpu.memory_space<hbm>> -> memref<1x79x128xi32, #tpu.memory_space<hbm>>
      %dma_wait3A_26 = tpu.memref_squeeze %dma_wait3A_25 : memref<1x79x128xi32, #tpu.memory_space<hbm>> -> memref<79x128xi32, #tpu.memory_space<hbm>>
      tpu.wait_dma2 semaphore(%run_scoped3A : memref<!tpu.dma_semaphore, #tpu.memory_space<semaphore_mem>>) src(%dma_wait3A_26 : memref<79x128xi32, #tpu.memory_space<hbm>>) dst(%arg7 : memref<79x128xi32, #tpu.memory_space<vmem>>)
      tpu.yield
    }) : () -> ()
    %barrier3A = arith.constant 0 : index
    tpu.barrier barrier_id(%barrier3A)
    %scan3A = arith.constant 0 : i32
    %scan3A_3 = arith.constant 0 : i32
    %scan3A_4 = arith.constant 79 : i32
    %scan3A_5 = arith.addi %scan3A_3, %scan3A_4 : i32
    %scan3A_6 = arith.constant 1 : i32
    scf.for %scan3A_13 = %scan3A_3 to %scan3A_5 step %scan3A_6  : i32 {
      "tpu.region"() ({
        %run_scoped3A = tpu.sem_alloc : memref<!tpu.dma_semaphore, #tpu.memory_space<semaphore_mem>>
        %dma_start3A = arith.constant 0 : i32
        %dma_start3A_14 = arith.constant 0 : i32
        %dma_start3A_15 = tpu.memref_slice %arg2[%add3A, %scan3A_13, %dma_start3A, %dma_start3A_14] : memref<32x79x128x128xf32, #tpu.memory_space<hbm>> -> memref<1x1x128x128xf32, #tpu.memory_space<hbm>>
        %dma_start3A_16 = tpu.memref_squeeze %dma_start3A_15 : memref<1x1x128x128xf32, #tpu.memory_space<hbm>> -> memref<128x128xf32, #tpu.memory_space<hbm>>
        %dma_start3A_17 = arith.constant 0 : i32
        %dma_start3A_18 = arith.constant 0 : i32
        %dma_start3A_19 = tpu.memref_slice %arg2[%add3A, %scan3A_13, %dma_start3A_17, %dma_start3A_18] : memref<32x79x128x128xf32, #tpu.memory_space<hbm>> -> memref<1x1x128x128xf32, #tpu.memory_space<hbm>>
        %dma_start3A_20 = tpu.memref_squeeze %dma_start3A_19 : memref<1x1x128x128xf32, #tpu.memory_space<hbm>> -> memref<128x128xf32, #tpu.memory_space<hbm>>
        tpu.enqueue_dma source(%dma_start3A_20 : memref<128x128xf32, #tpu.memory_space<hbm>>) target(%arg6 : memref<128x128xf32, #tpu.memory_space<vmem>>) target_semaphore(%run_scoped3A : memref<!tpu.dma_semaphore, #tpu.memory_space<semaphore_mem>>)
        %dma_wait3A = arith.constant 0 : i32
        %dma_wait3A_21 = arith.constant 0 : i32
        %dma_wait3A_22 = tpu.memref_slice %arg2[%add3A, %scan3A_13, %dma_wait3A, %dma_wait3A_21] : memref<32x79x128x128xf32, #tpu.memory_space<hbm>> -> memref<1x1x128x128xf32, #tpu.memory_space<hbm>>
        %dma_wait3A_23 = tpu.memref_squeeze %dma_wait3A_22 : memref<1x1x128x128xf32, #tpu.memory_space<hbm>> -> memref<128x128xf32, #tpu.memory_space<hbm>>
        %dma_wait3A_24 = arith.constant 0 : i32
        %dma_wait3A_25 = arith.constant 0 : i32
        %dma_wait3A_26 = tpu.memref_slice %arg2[%add3A, %scan3A_13, %dma_wait3A_24, %dma_wait3A_25] : memref<32x79x128x128xf32, #tpu.memory_space<hbm>> -> memref<1x1x128x128xf32, #tpu.memory_space<hbm>>
        %dma_wait3A_27 = tpu.memref_squeeze %dma_wait3A_26 : memref<1x1x128x128xf32, #tpu.memory_space<hbm>> -> memref<128x128xf32, #tpu.memory_space<hbm>>
        tpu.wait_dma2 semaphore(%run_scoped3A : memref<!tpu.dma_semaphore, #tpu.memory_space<semaphore_mem>>) src(%dma_wait3A_27 : memref<128x128xf32, #tpu.memory_space<hbm>>) dst(%arg6 : memref<128x128xf32, #tpu.memory_space<vmem>>)
        tpu.yield
      }) : () -> ()
      "tpu.region"() ({
        %run_scoped3A = tpu.sem_alloc : memref<!tpu.dma_semaphore, #tpu.memory_space<semaphore_mem>>
        %dma_start3A = arith.constant 0 : i32
        %dma_start3A_14 = tpu.memref_slice %arg7[%scan3A_13, %dma_start3A] : memref<79x128xi32, #tpu.memory_space<vmem>> -> memref<1x128xi32, #tpu.memory_space<vmem>>
        %dma_start3A_15 = tpu.memref_squeeze %dma_start3A_14 : memref<1x128xi32, #tpu.memory_space<vmem>> -> memref<128xi32, #tpu.memory_space<vmem>>
        %dma_start3A_16 = arith.constant 0 : i32
        %dma_start3A_17 = arith.constant 0 : i32
        %dma_start3A_18 = tpu.memref_slice %arg8[%dma_start3A_16, %dma_start3A_17] : memref<10240x128xf32, #tpu.memory_space<vmem_shared>> -> memref<10240x128xf32, #tpu.memory_space<vmem_shared>>
        tpu.enqueue_indirect_dma source(%arg6 : memref<128x128xf32, #tpu.memory_space<vmem>>) target(%dma_start3A_18 : memref<10240x128xf32, #tpu.memory_space<vmem_shared>>) offsets(%dma_start3A_15 : memref<128xi32, #tpu.memory_space<vmem>>) semaphore(%run_scoped3A : memref<!tpu.dma_semaphore, #tpu.memory_space<semaphore_mem>>) {add = true}
        %dma_wait3A = arith.constant 0 : i32
        %dma_wait3A_19 = tpu.memref_slice %arg7[%scan3A_13, %dma_wait3A] : memref<79x128xi32, #tpu.memory_space<vmem>> -> memref<1x128xi32, #tpu.memory_space<vmem>>
        %dma_wait3A_20 = tpu.memref_squeeze %dma_wait3A_19 : memref<1x128xi32, #tpu.memory_space<vmem>> -> memref<128xi32, #tpu.memory_space<vmem>>
        %dma_wait3A_21 = arith.constant 0 : i32
        %dma_wait3A_22 = arith.constant 0 : i32
        %dma_wait3A_23 = tpu.memref_slice %arg8[%dma_wait3A_21, %dma_wait3A_22] : memref<10240x128xf32, #tpu.memory_space<vmem_shared>> -> memref<10240x128xf32, #tpu.memory_space<vmem_shared>>
        tpu.wait_indirect_dma semaphore(%run_scoped3A : memref<!tpu.dma_semaphore, #tpu.memory_space<semaphore_mem>>) src(%arg6 : memref<128x128xf32, #tpu.memory_space<vmem>>) dst(%dma_wait3A_23 : memref<10240x128xf32, #tpu.memory_space<vmem_shared>>)
        tpu.yield
      }) : () -> ()
    }
    %scan3A_7 = arith.constant 79 : i32
    %barrier3A_8 = arith.constant 0 : index
    tpu.barrier barrier_id(%barrier3A_8)
    %mul3A_9 = arith.constant 640 : i32
    %mul3A_10 = arith.muli %arg1, %mul3A_9 : i32
    %mul3A_11 = arith.constant 640 : i32
    %mul3A_12 = arith.muli %arg1, %mul3A_11 : i32
    "tpu.region"() ({
      %run_scoped3A = tpu.sem_alloc : memref<!tpu.dma_semaphore, #tpu.memory_space<semaphore_mem>>
      %dma_start3A = arith.constant 0 : i32
      %dma_start3A_13 = tpu.memref_slice %arg5[%arg0, %mul3A_12, %dma_start3A] : memref<2x10240x128xf32, #tpu.memory_space<hbm>> -> memref<1x640x128xf32, #tpu.memory_space<hbm>>
      %dma_start3A_14 = tpu.memref_squeeze %dma_start3A_13 : memref<1x640x128xf32, #tpu.memory_space<hbm>> -> memref<640x128xf32, #tpu.memory_space<hbm>>
      %dma_start3A_15 = arith.constant 0 : i32
      %dma_start3A_16 = tpu.memref_slice %arg8[%mul3A_10, %dma_start3A_15] : memref<10240x128xf32, #tpu.memory_space<vmem_shared>> -> memref<640x128xf32, #tpu.memory_space<vmem_shared>>
      tpu.enqueue_dma source(%dma_start3A_16 : memref<640x128xf32, #tpu.memory_space<vmem_shared>>) target(%dma_start3A_14 : memref<640x128xf32, #tpu.memory_space<hbm>>) target_semaphore(%run_scoped3A : memref<!tpu.dma_semaphore, #tpu.memory_space<semaphore_mem>>)
      %dma_wait3A = arith.constant 0 : i32
      %dma_wait3A_17 = tpu.memref_slice %arg5[%arg0, %mul3A_12, %dma_wait3A] : memref<2x10240x128xf32, #tpu.memory_space<hbm>> -> memref<1x640x128xf32, #tpu.memory_space<hbm>>
      %dma_wait3A_18 = tpu.memref_squeeze %dma_wait3A_17 : memref<1x640x128xf32, #tpu.memory_space<hbm>> -> memref<640x128xf32, #tpu.memory_space<hbm>>
      %dma_wait3A_19 = arith.constant 0 : i32
      %dma_wait3A_20 = tpu.memref_slice %arg8[%mul3A_10, %dma_wait3A_19] : memref<10240x128xf32, #tpu.memory_space<vmem_shared>> -> memref<640x128xf32, #tpu.memory_space<vmem_shared>>
      tpu.wait_dma2 semaphore(%run_scoped3A : memref<!tpu.dma_semaphore, #tpu.memory_space<semaphore_mem>>) src(%dma_wait3A_20 : memref<640x128xf32, #tpu.memory_space<vmem_shared>>) dst(%dma_wait3A_18 : memref<640x128xf32, #tpu.memory_space<hbm>>)
      tpu.yield
    }) : () -> ()
    return
  }
}

module attributes {stable_mosaic.version = 14 : i64} {
  func.func @_dense_round_body(%arg0: i32, %arg1: memref<2000x128xf32, #tpu.memory_space<vmem>>, %arg2: memref<2x2000x128xf32, #tpu.memory_space<vmem>>, %arg3: memref<2x2000x128xf32, #tpu.memory_space<vmem>>, %arg4: memref<128x256xf32, #tpu.memory_space<vmem>>, %arg5: memref<128x256xf32, #tpu.memory_space<vmem>>, %arg6: memref<16x256xf32, #tpu.memory_space<vmem>>, %arg7: memref<1x256xf32, #tpu.memory_space<vmem>>, %arg8: memref<256x384xf32, #tpu.memory_space<vmem>>, %arg9: memref<128x384xf32, #tpu.memory_space<vmem>>, %arg10: memref<1x384xf32, #tpu.memory_space<vmem>>, %arg11: memref<1x384xf32, #tpu.memory_space<vmem>>, %arg12: memref<2000x128xf32, #tpu.memory_space<vmem>>) attributes {dimension_semantics = [#tpu.dimension_semantics<arbitrary>], iteration_bounds = array<i64: 5>, scalar_prefetch = 0 : i64, scratch_operands = 0 : i64, tpu.core_type = #tpu.core_type<tc>, window_params = [{transform_indices = @transform_0, window_bounds = array<i64: 2000, 128>}, {transform_indices = @transform_1, window_bounds = array<i64: 2, 2000, 128>}, {transform_indices = @transform_2, window_bounds = array<i64: 2, 2000, 128>}, {pipeline_mode = #tpu.pipeline_mode<synchronous>, transform_indices = @transform_3, window_bounds = array<i64: 128, 256>}, {pipeline_mode = #tpu.pipeline_mode<synchronous>, transform_indices = @transform_4, window_bounds = array<i64: 128, 256>}, {pipeline_mode = #tpu.pipeline_mode<synchronous>, transform_indices = @transform_5, window_bounds = array<i64: 16, 256>}, {pipeline_mode = #tpu.pipeline_mode<synchronous>, transform_indices = @transform_6, window_bounds = array<i64: 1, 256>}, {pipeline_mode = #tpu.pipeline_mode<synchronous>, transform_indices = @transform_7, window_bounds = array<i64: 256, 384>}, {pipeline_mode = #tpu.pipeline_mode<synchronous>, transform_indices = @transform_8, window_bounds = array<i64: 128, 384>}, {pipeline_mode = #tpu.pipeline_mode<synchronous>, transform_indices = @transform_9, window_bounds = array<i64: 1, 384>}, {pipeline_mode = #tpu.pipeline_mode<synchronous>, transform_indices = @transform_10, window_bounds = array<i64: 1, 384>}, {transform_indices = @transform_11, window_bounds = array<i64: 2000, 128>}]} {
    %get3A = arith.constant 0 : index
    %get3A_0 = arith.constant 0 : index
    %get3A_1 = vector.load %arg1[%get3A, %get3A_0] : memref<2000x128xf32, #tpu.memory_space<vmem>>, vector<2000x128xf32>
    %get3A_2 = arith.constant 0 : index
    %get3A_3 = arith.constant 0 : index
    %get3A_4 = arith.constant 0 : index
    %get3A_5 = vector.load %arg2[%get3A_2, %get3A_3, %get3A_4] : memref<2x2000x128xf32, #tpu.memory_space<vmem>>, vector<1x2000x128xf32>
    %get3A_6 = vector.shape_cast %get3A_5 : vector<1x2000x128xf32> to vector<2000x128xf32>
    %get3A_7 = arith.constant 1 : index
    %get3A_8 = arith.constant 0 : index
    %get3A_9 = arith.constant 0 : index
    %get3A_10 = vector.load %arg2[%get3A_7, %get3A_8, %get3A_9] : memref<2x2000x128xf32, #tpu.memory_space<vmem>>, vector<1x2000x128xf32>
    %get3A_11 = vector.shape_cast %get3A_10 : vector<1x2000x128xf32> to vector<2000x128xf32>
    %add3A = arith.addf %get3A_6, %get3A_11 : vector<2000x128xf32>
    %get3A_12 = arith.constant 0 : index
    %get3A_13 = arith.constant 0 : index
    %get3A_14 = arith.constant 0 : index
    %get3A_15 = vector.load %arg3[%get3A_12, %get3A_13, %get3A_14] : memref<2x2000x128xf32, #tpu.memory_space<vmem>>, vector<1x2000x128xf32>
    %get3A_16 = vector.shape_cast %get3A_15 : vector<1x2000x128xf32> to vector<2000x128xf32>
    %get3A_17 = arith.constant 1 : index
    %get3A_18 = arith.constant 0 : index
    %get3A_19 = arith.constant 0 : index
    %get3A_20 = vector.load %arg3[%get3A_17, %get3A_18, %get3A_19] : memref<2x2000x128xf32, #tpu.memory_space<vmem>>, vector<1x2000x128xf32>
    %get3A_21 = vector.shape_cast %get3A_20 : vector<1x2000x128xf32> to vector<2000x128xf32>
    %add3A_22 = arith.addf %get3A_16, %get3A_21 : vector<2000x128xf32>
    %slice3A = vector.extract_strided_slice %add3A_22 {offsets = [0, 0], sizes = [2000, 16], strides = [1, 1]} : vector<2000x128xf32> to vector<2000x16xf32>
    %slice3A_23 = vector.extract_strided_slice %add3A_22 {offsets = [0, 16], sizes = [2000, 1], strides = [1, 1]} : vector<2000x128xf32> to vector<2000x1xf32>
    %get3A_24 = arith.constant 0 : index
    %get3A_25 = arith.constant 0 : index
    %get3A_26 = vector.load %arg4[%get3A_24, %get3A_25] : memref<128x256xf32, #tpu.memory_space<vmem>>, vector<128x256xf32>
    %convert_element_type3A = arith.truncf %get3A_1 : vector<2000x128xf32> to vector<2000x128xbf16>
    %convert_element_type3A_27 = arith.truncf %get3A_26 : vector<128x256xf32> to vector<128x256xbf16>
    %dot_general3A = arith.constant dense<0.000000e+00> : vector<2000x256xf32>
    %dot_general3A_28 = tpu.matmul %convert_element_type3A, %convert_element_type3A_27, %dot_general3A {dimension_numbers = #tpu.dot_dimension_numbers<[1], [0], [0], [1], [0, 0, 1, 1], [], []>, transpose_lhs_hint = false} : vector<2000x128xbf16>, vector<128x256xbf16>, vector<2000x256xf32> -> vector<2000x256xf32>
    %get3A_29 = arith.constant 0 : index
    %get3A_30 = arith.constant 0 : index
    %get3A_31 = vector.load %arg7[%get3A_29, %get3A_30] : memref<1x256xf32, #tpu.memory_space<vmem>>, vector<1x256xf32>
    %add3A_32 = vector.broadcast %get3A_31 : vector<1x256xf32> to vector<2000x256xf32>
    %add3A_33 = arith.addf %dot_general3A_28, %add3A_32 : vector<2000x256xf32>
    %mul3A = vector.broadcast %slice3A_23 : vector<2000x1xf32> to vector<2000x256xf32>
    %mul3A_34 = arith.mulf %mul3A, %add3A_33 : vector<2000x256xf32>
    %get3A_35 = arith.constant 0 : index
    %get3A_36 = arith.constant 0 : index
    %get3A_37 = vector.load %arg5[%get3A_35, %get3A_36] : memref<128x256xf32, #tpu.memory_space<vmem>>, vector<128x256xf32>
    %dot_general3A_38 = arith.constant dense<0.000000e+00> : vector<2000x256xf32>
    %dot_general3A_39 = tpu.matmul %add3A, %get3A_37, %dot_general3A_38 {dimension_numbers = #tpu.dot_dimension_numbers<[1], [0], [0], [1], [0, 0, 1, 1], [], []>, precision = #tpu.contract_precision<fp32>, transpose_lhs_hint = false} : vector<2000x128xf32>, vector<128x256xf32>, vector<2000x256xf32> -> vector<2000x256xf32>
    %add3A_40 = arith.addf %mul3A_34, %dot_general3A_39 : vector<2000x256xf32>
    %get3A_41 = arith.constant 0 : index
    %get3A_42 = arith.constant 0 : index
    %get3A_43 = vector.load %arg6[%get3A_41, %get3A_42] : memref<16x256xf32, #tpu.memory_space<vmem>>, vector<16x256xf32>
    %dot_general3A_44 = arith.constant dense<0.000000e+00> : vector<2000x256xf32>
    %dot_general3A_45 = tpu.matmul %slice3A, %get3A_43, %dot_general3A_44 {dimension_numbers = #tpu.dot_dimension_numbers<[1], [0], [0], [1], [0, 0, 1, 1], [], []>, precision = #tpu.contract_precision<fp32>, transpose_lhs_hint = false} : vector<2000x16xf32>, vector<16x256xf32>, vector<2000x256xf32> -> vector<2000x256xf32>
    %add3A_46 = arith.addf %add3A_40, %dot_general3A_45 : vector<2000x256xf32>
    %get3A_47 = arith.constant 0 : index
    %get3A_48 = arith.constant 0 : index
    %get3A_49 = vector.load %arg8[%get3A_47, %get3A_48] : memref<256x384xf32, #tpu.memory_space<vmem>>, vector<256x384xf32>
    %convert_element_type3A_50 = arith.truncf %add3A_46 : vector<2000x256xf32> to vector<2000x256xbf16>
    %convert_element_type3A_51 = arith.truncf %get3A_49 : vector<256x384xf32> to vector<256x384xbf16>
    %dot_general3A_52 = arith.constant dense<0.000000e+00> : vector<2000x384xf32>
    %dot_general3A_53 = tpu.matmul %convert_element_type3A_50, %convert_element_type3A_51, %dot_general3A_52 {dimension_numbers = #tpu.dot_dimension_numbers<[1], [0], [0], [1], [0, 0, 1, 1], [], []>, transpose_lhs_hint = false} : vector<2000x256xbf16>, vector<256x384xbf16>, vector<2000x384xf32> -> vector<2000x384xf32>
    %get3A_54 = arith.constant 0 : index
    %get3A_55 = arith.constant 0 : index
    %get3A_56 = vector.load %arg10[%get3A_54, %get3A_55] : memref<1x384xf32, #tpu.memory_space<vmem>>, vector<1x384xf32>
    %add3A_57 = vector.broadcast %get3A_56 : vector<1x384xf32> to vector<2000x384xf32>
    %add3A_58 = arith.addf %dot_general3A_53, %add3A_57 : vector<2000x384xf32>
    %get3A_59 = arith.constant 0 : index
    %get3A_60 = arith.constant 0 : index
    %get3A_61 = vector.load %arg9[%get3A_59, %get3A_60] : memref<128x384xf32, #tpu.memory_space<vmem>>, vector<128x384xf32>
    %convert_element_type3A_62 = arith.truncf %get3A_1 : vector<2000x128xf32> to vector<2000x128xbf16>
    %convert_element_type3A_63 = arith.truncf %get3A_61 : vector<128x384xf32> to vector<128x384xbf16>
    %dot_general3A_64 = arith.constant dense<0.000000e+00> : vector<2000x384xf32>
    %dot_general3A_65 = tpu.matmul %convert_element_type3A_62, %convert_element_type3A_63, %dot_general3A_64 {dimension_numbers = #tpu.dot_dimension_numbers<[1], [0], [0], [1], [0, 0, 1, 1], [], []>, transpose_lhs_hint = false} : vector<2000x128xbf16>, vector<128x384xbf16>, vector<2000x384xf32> -> vector<2000x384xf32>
    %get3A_66 = arith.constant 0 : index
    %get3A_67 = arith.constant 0 : index
    %get3A_68 = vector.load %arg11[%get3A_66, %get3A_67] : memref<1x384xf32, #tpu.memory_space<vmem>>, vector<1x384xf32>
    %add3A_69 = vector.broadcast %get3A_68 : vector<1x384xf32> to vector<2000x384xf32>
    %add3A_70 = arith.addf %dot_general3A_65, %add3A_69 : vector<2000x384xf32>
    %slice3A_71 = vector.extract_strided_slice %add3A_58 {offsets = [0, 0], sizes = [2000, 128], strides = [1, 1]} : vector<2000x384xf32> to vector<2000x128xf32>
    %slice3A_72 = vector.extract_strided_slice %add3A_70 {offsets = [0, 0], sizes = [2000, 128], strides = [1, 1]} : vector<2000x384xf32> to vector<2000x128xf32>
    %add3A_73 = arith.addf %slice3A_71, %slice3A_72 : vector<2000x128xf32>
    %logistic3A = arith.negf %add3A_73 : vector<2000x128xf32>
    %logistic3A_74 = math.exp %logistic3A : vector<2000x128xf32>
    %logistic3A_75 = arith.constant 1.000000e+00 : f32
    %logistic3A_76 = vector.broadcast %logistic3A_75 : f32 to vector<2000x128xf32>
    %logistic3A_77 = arith.addf %logistic3A_76, %logistic3A_74 : vector<2000x128xf32>
    %logistic3A_78 = arith.divf %logistic3A_76, %logistic3A_77 : vector<2000x128xf32>
    %slice3A_79 = vector.extract_strided_slice %add3A_58 {offsets = [0, 128], sizes = [2000, 128], strides = [1, 1]} : vector<2000x384xf32> to vector<2000x128xf32>
    %slice3A_80 = vector.extract_strided_slice %add3A_70 {offsets = [0, 128], sizes = [2000, 128], strides = [1, 1]} : vector<2000x384xf32> to vector<2000x128xf32>
    %add3A_81 = arith.addf %slice3A_79, %slice3A_80 : vector<2000x128xf32>
    %logistic3A_82 = arith.negf %add3A_81 : vector<2000x128xf32>
    %logistic3A_83 = math.exp %logistic3A_82 : vector<2000x128xf32>
    %logistic3A_84 = arith.constant 1.000000e+00 : f32
    %logistic3A_85 = vector.broadcast %logistic3A_84 : f32 to vector<2000x128xf32>
    %logistic3A_86 = arith.addf %logistic3A_85, %logistic3A_83 : vector<2000x128xf32>
    %logistic3A_87 = arith.divf %logistic3A_85, %logistic3A_86 : vector<2000x128xf32>
    %slice3A_88 = vector.extract_strided_slice %add3A_58 {offsets = [0, 256], sizes = [2000, 128], strides = [1, 1]} : vector<2000x384xf32> to vector<2000x128xf32>
    %slice3A_89 = vector.extract_strided_slice %add3A_70 {offsets = [0, 256], sizes = [2000, 128], strides = [1, 1]} : vector<2000x384xf32> to vector<2000x128xf32>
    %mul3A_90 = arith.mulf %logistic3A_78, %slice3A_89 : vector<2000x128xf32>
    %add3A_91 = arith.addf %slice3A_88, %mul3A_90 : vector<2000x128xf32>
    %tanh3A = math.tanh %add3A_91 : vector<2000x128xf32>
    %sub3A = arith.constant 1.000000e+00 : f32
    %sub3A_92 = vector.broadcast %sub3A : f32 to vector<2000x128xf32>
    %sub3A_93 = arith.subf %sub3A_92, %logistic3A_87 : vector<2000x128xf32>
    %mul3A_94 = arith.mulf %sub3A_93, %tanh3A : vector<2000x128xf32>
    %mul3A_95 = arith.mulf %logistic3A_87, %get3A_1 : vector<2000x128xf32>
    %add3A_96 = arith.addf %mul3A_94, %mul3A_95 : vector<2000x128xf32>
    %swap3A = arith.constant 0 : index
    %swap3A_97 = arith.constant 0 : index
    %swap3A_98 = vector.load %arg12[%swap3A, %swap3A_97] : memref<2000x128xf32, #tpu.memory_space<vmem>>, vector<2000x128xf32>
    tpu.vector_store %arg12[%swap3A, %swap3A_97], %add3A_96 {strides = array<i32>} : memref<2000x128xf32, #tpu.memory_space<vmem>>, vector<2000x128xf32>,
    return
  }
  func.func @transform_0(%arg0: i32) -> (i32, i32) {
    %c0_i32 = arith.constant 0 : i32
    %c0_i32_0 = arith.constant 0 : i32
    return %arg0, %c0_i32 : i32, i32
  }
  func.func @transform_1(%arg0: i32) -> (i32, i32, i32) {
    %c0_i32 = arith.constant 0 : i32
    %c0_i32_0 = arith.constant 0 : i32
    %c0_i32_1 = arith.constant 0 : i32
    return %c0_i32, %arg0, %c0_i32_0 : i32, i32, i32
  }
  func.func @transform_2(%arg0: i32) -> (i32, i32, i32) {
    %c0_i32 = arith.constant 0 : i32
    %c0_i32_0 = arith.constant 0 : i32
    %c0_i32_1 = arith.constant 0 : i32
    return %c0_i32, %arg0, %c0_i32_0 : i32, i32, i32
  }
  func.func @transform_3(%arg0: i32) -> (i32, i32) {
    %c0_i32 = arith.constant 0 : i32
    %c0_i32_0 = arith.constant 0 : i32
    %c0_i32_1 = arith.constant 0 : i32
    return %c0_i32, %c0_i32_0 : i32, i32
  }
  func.func @transform_4(%arg0: i32) -> (i32, i32) {
    %c0_i32 = arith.constant 0 : i32
    %c0_i32_0 = arith.constant 0 : i32
    %c0_i32_1 = arith.constant 0 : i32
    return %c0_i32, %c0_i32_0 : i32, i32
  }
  func.func @transform_5(%arg0: i32) -> (i32, i32) {
    %c0_i32 = arith.constant 0 : i32
    %c0_i32_0 = arith.constant 0 : i32
    %c0_i32_1 = arith.constant 0 : i32
    return %c0_i32, %c0_i32_0 : i32, i32
  }
  func.func @transform_6(%arg0: i32) -> (i32, i32) {
    %c0_i32 = arith.constant 0 : i32
    %c0_i32_0 = arith.constant 0 : i32
    %c0_i32_1 = arith.constant 0 : i32
    return %c0_i32, %c0_i32_0 : i32, i32
  }
  func.func @transform_7(%arg0: i32) -> (i32, i32) {
    %c0_i32 = arith.constant 0 : i32
    %c0_i32_0 = arith.constant 0 : i32
    %c0_i32_1 = arith.constant 0 : i32
    return %c0_i32, %c0_i32_0 : i32, i32
  }
  func.func @transform_8(%arg0: i32) -> (i32, i32) {
    %c0_i32 = arith.constant 0 : i32
    %c0_i32_0 = arith.constant 0 : i32
    %c0_i32_1 = arith.constant 0 : i32
    return %c0_i32, %c0_i32_0 : i32, i32
  }
  func.func @transform_9(%arg0: i32) -> (i32, i32) {
    %c0_i32 = arith.constant 0 : i32
    %c0_i32_0 = arith.constant 0 : i32
    %c0_i32_1 = arith.constant 0 : i32
    return %c0_i32, %c0_i32_0 : i32, i32
  }
  func.func @transform_10(%arg0: i32) -> (i32, i32) {
    %c0_i32 = arith.constant 0 : i32
    %c0_i32_0 = arith.constant 0 : i32
    %c0_i32_1 = arith.constant 0 : i32
    return %c0_i32, %c0_i32_0 : i32, i32
  }
  func.func @transform_11(%arg0: i32) -> (i32, i32) {
    %c0_i32 = arith.constant 0 : i32
    %c0_i32_0 = arith.constant 0 : i32
    return %arg0, %c0_i32 : i32, i32
  }
}

module attributes {stable_mosaic.version = 14 : i64} {
  func.func @_dense_round_body(%arg0: i32, %arg1: memref<2000x128xf32, #tpu.memory_space<vmem>>, %arg2: memref<2x2000x128xf32, #tpu.memory_space<vmem>>, %arg3: memref<2x2000x128xf32, #tpu.memory_space<vmem>>, %arg4: memref<128x256xf32, #tpu.memory_space<vmem>>, %arg5: memref<128x256xf32, #tpu.memory_space<vmem>>, %arg6: memref<16x256xf32, #tpu.memory_space<vmem>>, %arg7: memref<1x256xf32, #tpu.memory_space<vmem>>, %arg8: memref<256x384xf32, #tpu.memory_space<vmem>>, %arg9: memref<128x384xf32, #tpu.memory_space<vmem>>, %arg10: memref<1x384xf32, #tpu.memory_space<vmem>>, %arg11: memref<1x384xf32, #tpu.memory_space<vmem>>, %arg12: memref<2000x128xf32, #tpu.memory_space<vmem>>) attributes {dimension_semantics = [#tpu.dimension_semantics<arbitrary>], iteration_bounds = array<i64: 5>, scalar_prefetch = 0 : i64, scratch_operands = 0 : i64, tpu.core_type = #tpu.core_type<tc>, window_params = [{transform_indices = @transform_0, window_bounds = array<i64: 2000, 128>}, {transform_indices = @transform_1, window_bounds = array<i64: 2, 2000, 128>}, {transform_indices = @transform_2, window_bounds = array<i64: 2, 2000, 128>}, {pipeline_mode = #tpu.pipeline_mode<synchronous>, transform_indices = @transform_3, window_bounds = array<i64: 128, 256>}, {pipeline_mode = #tpu.pipeline_mode<synchronous>, transform_indices = @transform_4, window_bounds = array<i64: 128, 256>}, {pipeline_mode = #tpu.pipeline_mode<synchronous>, transform_indices = @transform_5, window_bounds = array<i64: 16, 256>}, {pipeline_mode = #tpu.pipeline_mode<synchronous>, transform_indices = @transform_6, window_bounds = array<i64: 1, 256>}, {pipeline_mode = #tpu.pipeline_mode<synchronous>, transform_indices = @transform_7, window_bounds = array<i64: 256, 384>}, {pipeline_mode = #tpu.pipeline_mode<synchronous>, transform_indices = @transform_8, window_bounds = array<i64: 128, 384>}, {pipeline_mode = #tpu.pipeline_mode<synchronous>, transform_indices = @transform_9, window_bounds = array<i64: 1, 384>}, {pipeline_mode = #tpu.pipeline_mode<synchronous>, transform_indices = @transform_10, window_bounds = array<i64: 1, 384>}, {transform_indices = @transform_11, window_bounds = array<i64: 2000, 128>}]} {
    %get3A = arith.constant 0 : index
    %get3A_0 = arith.constant 0 : index
    %get3A_1 = vector.load %arg1[%get3A, %get3A_0] : memref<2000x128xf32, #tpu.memory_space<vmem>>, vector<2000x128xf32>
    %get3A_2 = arith.constant 0 : index
    %get3A_3 = arith.constant 0 : index
    %get3A_4 = arith.constant 0 : index
    %get3A_5 = vector.load %arg2[%get3A_2, %get3A_3, %get3A_4] : memref<2x2000x128xf32, #tpu.memory_space<vmem>>, vector<1x2000x128xf32>
    %get3A_6 = vector.shape_cast %get3A_5 : vector<1x2000x128xf32> to vector<2000x128xf32>
    %get3A_7 = arith.constant 1 : index
    %get3A_8 = arith.constant 0 : index
    %get3A_9 = arith.constant 0 : index
    %get3A_10 = vector.load %arg2[%get3A_7, %get3A_8, %get3A_9] : memref<2x2000x128xf32, #tpu.memory_space<vmem>>, vector<1x2000x128xf32>
    %get3A_11 = vector.shape_cast %get3A_10 : vector<1x2000x128xf32> to vector<2000x128xf32>
    %add3A = arith.addf %get3A_6, %get3A_11 : vector<2000x128xf32>
    %get3A_12 = arith.constant 0 : index
    %get3A_13 = arith.constant 0 : index
    %get3A_14 = arith.constant 0 : index
    %get3A_15 = vector.load %arg3[%get3A_12, %get3A_13, %get3A_14] : memref<2x2000x128xf32, #tpu.memory_space<vmem>>, vector<1x2000x128xf32>
    %get3A_16 = vector.shape_cast %get3A_15 : vector<1x2000x128xf32> to vector<2000x128xf32>
    %get3A_17 = arith.constant 1 : index
    %get3A_18 = arith.constant 0 : index
    %get3A_19 = arith.constant 0 : index
    %get3A_20 = vector.load %arg3[%get3A_17, %get3A_18, %get3A_19] : memref<2x2000x128xf32, #tpu.memory_space<vmem>>, vector<1x2000x128xf32>
    %get3A_21 = vector.shape_cast %get3A_20 : vector<1x2000x128xf32> to vector<2000x128xf32>
    %add3A_22 = arith.addf %get3A_16, %get3A_21 : vector<2000x128xf32>
    %slice3A = vector.extract_strided_slice %add3A_22 {offsets = [0, 0], sizes = [2000, 16], strides = [1, 1]} : vector<2000x128xf32> to vector<2000x16xf32>
    %slice3A_23 = vector.extract_strided_slice %add3A_22 {offsets = [0, 16], sizes = [2000, 1], strides = [1, 1]} : vector<2000x128xf32> to vector<2000x1xf32>
    %get3A_24 = arith.constant 0 : index
    %get3A_25 = arith.constant 0 : index
    %get3A_26 = vector.load %arg4[%get3A_24, %get3A_25] : memref<128x256xf32, #tpu.memory_space<vmem>>, vector<128x256xf32>
    %convert_element_type3A = arith.truncf %get3A_1 : vector<2000x128xf32> to vector<2000x128xbf16>
    %convert_element_type3A_27 = arith.truncf %get3A_26 : vector<128x256xf32> to vector<128x256xbf16>
    %dot_general3A = arith.constant dense<0.000000e+00> : vector<2000x256xf32>
    %dot_general3A_28 = tpu.matmul %convert_element_type3A, %convert_element_type3A_27, %dot_general3A {dimension_numbers = #tpu.dot_dimension_numbers<[1], [0], [0], [1], [0, 0, 1, 1], [], []>, transpose_lhs_hint = false} : vector<2000x128xbf16>, vector<128x256xbf16>, vector<2000x256xf32> -> vector<2000x256xf32>
    %get3A_29 = arith.constant 0 : index
    %get3A_30 = arith.constant 0 : index
    %get3A_31 = vector.load %arg7[%get3A_29, %get3A_30] : memref<1x256xf32, #tpu.memory_space<vmem>>, vector<1x256xf32>
    %add3A_32 = vector.broadcast %get3A_31 : vector<1x256xf32> to vector<2000x256xf32>
    %add3A_33 = arith.addf %dot_general3A_28, %add3A_32 : vector<2000x256xf32>
    %mul3A = vector.broadcast %slice3A_23 : vector<2000x1xf32> to vector<2000x256xf32>
    %mul3A_34 = arith.mulf %mul3A, %add3A_33 : vector<2000x256xf32>
    %get3A_35 = arith.constant 0 : index
    %get3A_36 = arith.constant 0 : index
    %get3A_37 = vector.load %arg5[%get3A_35, %get3A_36] : memref<128x256xf32, #tpu.memory_space<vmem>>, vector<128x256xf32>
    %dot_general3A_38 = arith.constant dense<0.000000e+00> : vector<2000x256xf32>
    %dot_general3A_39 = tpu.matmul %add3A, %get3A_37, %dot_general3A_38 {dimension_numbers = #tpu.dot_dimension_numbers<[1], [0], [0], [1], [0, 0, 1, 1], [], []>, precision = #tpu.contract_precision<fp32>, transpose_lhs_hint = false} : vector<2000x128xf32>, vector<128x256xf32>, vector<2000x256xf32> -> vector<2000x256xf32>
    %add3A_40 = arith.addf %mul3A_34, %dot_general3A_39 : vector<2000x256xf32>
    %get3A_41 = arith.constant 0 : index
    %get3A_42 = arith.constant 0 : index
    %get3A_43 = vector.load %arg6[%get3A_41, %get3A_42] : memref<16x256xf32, #tpu.memory_space<vmem>>, vector<16x256xf32>
    %dot_general3A_44 = arith.constant dense<0.000000e+00> : vector<2000x256xf32>
    %dot_general3A_45 = tpu.matmul %slice3A, %get3A_43, %dot_general3A_44 {dimension_numbers = #tpu.dot_dimension_numbers<[1], [0], [0], [1], [0, 0, 1, 1], [], []>, precision = #tpu.contract_precision<fp32>, transpose_lhs_hint = false} : vector<2000x16xf32>, vector<16x256xf32>, vector<2000x256xf32> -> vector<2000x256xf32>
    %add3A_46 = arith.addf %add3A_40, %dot_general3A_45 : vector<2000x256xf32>
    %get3A_47 = arith.constant 0 : index
    %get3A_48 = arith.constant 0 : index
    %get3A_49 = vector.load %arg8[%get3A_47, %get3A_48] : memref<256x384xf32, #tpu.memory_space<vmem>>, vector<256x384xf32>
    %convert_element_type3A_50 = arith.truncf %add3A_46 : vector<2000x256xf32> to vector<2000x256xbf16>
    %convert_element_type3A_51 = arith.truncf %get3A_49 : vector<256x384xf32> to vector<256x384xbf16>
    %dot_general3A_52 = arith.constant dense<0.000000e+00> : vector<2000x384xf32>
    %dot_general3A_53 = tpu.matmul %convert_element_type3A_50, %convert_element_type3A_51, %dot_general3A_52 {dimension_numbers = #tpu.dot_dimension_numbers<[1], [0], [0], [1], [0, 0, 1, 1], [], []>, transpose_lhs_hint = false} : vector<2000x256xbf16>, vector<256x384xbf16>, vector<2000x384xf32> -> vector<2000x384xf32>
    %get3A_54 = arith.constant 0 : index
    %get3A_55 = arith.constant 0 : index
    %get3A_56 = vector.load %arg10[%get3A_54, %get3A_55] : memref<1x384xf32, #tpu.memory_space<vmem>>, vector<1x384xf32>
    %add3A_57 = vector.broadcast %get3A_56 : vector<1x384xf32> to vector<2000x384xf32>
    %add3A_58 = arith.addf %dot_general3A_53, %add3A_57 : vector<2000x384xf32>
    %get3A_59 = arith.constant 0 : index
    %get3A_60 = arith.constant 0 : index
    %get3A_61 = vector.load %arg9[%get3A_59, %get3A_60] : memref<128x384xf32, #tpu.memory_space<vmem>>, vector<128x384xf32>
    %convert_element_type3A_62 = arith.truncf %get3A_1 : vector<2000x128xf32> to vector<2000x128xbf16>
    %convert_element_type3A_63 = arith.truncf %get3A_61 : vector<128x384xf32> to vector<128x384xbf16>
    %dot_general3A_64 = arith.constant dense<0.000000e+00> : vector<2000x384xf32>
    %dot_general3A_65 = tpu.matmul %convert_element_type3A_62, %convert_element_type3A_63, %dot_general3A_64 {dimension_numbers = #tpu.dot_dimension_numbers<[1], [0], [0], [1], [0, 0, 1, 1], [], []>, transpose_lhs_hint = false} : vector<2000x128xbf16>, vector<128x384xbf16>, vector<2000x384xf32> -> vector<2000x384xf32>
    %get3A_66 = arith.constant 0 : index
    %get3A_67 = arith.constant 0 : index
    %get3A_68 = vector.load %arg11[%get3A_66, %get3A_67] : memref<1x384xf32, #tpu.memory_space<vmem>>, vector<1x384xf32>
    %add3A_69 = vector.broadcast %get3A_68 : vector<1x384xf32> to vector<2000x384xf32>
    %add3A_70 = arith.addf %dot_general3A_65, %add3A_69 : vector<2000x384xf32>
    %slice3A_71 = vector.extract_strided_slice %add3A_58 {offsets = [0, 0], sizes = [2000, 128], strides = [1, 1]} : vector<2000x384xf32> to vector<2000x128xf32>
    %slice3A_72 = vector.extract_strided_slice %add3A_70 {offsets = [0, 0], sizes = [2000, 128], strides = [1, 1]} : vector<2000x384xf32> to vector<2000x128xf32>
    %add3A_73 = arith.addf %slice3A_71, %slice3A_72 : vector<2000x128xf32>
    %logistic3A = arith.negf %add3A_73 : vector<2000x128xf32>
    %logistic3A_74 = math.exp %logistic3A : vector<2000x128xf32>
    %logistic3A_75 = arith.constant 1.000000e+00 : f32
    %logistic3A_76 = vector.broadcast %logistic3A_75 : f32 to vector<2000x128xf32>
    %logistic3A_77 = arith.addf %logistic3A_76, %logistic3A_74 : vector<2000x128xf32>
    %logistic3A_78 = arith.divf %logistic3A_76, %logistic3A_77 : vector<2000x128xf32>
    %slice3A_79 = vector.extract_strided_slice %add3A_58 {offsets = [0, 128], sizes = [2000, 128], strides = [1, 1]} : vector<2000x384xf32> to vector<2000x128xf32>
    %slice3A_80 = vector.extract_strided_slice %add3A_70 {offsets = [0, 128], sizes = [2000, 128], strides = [1, 1]} : vector<2000x384xf32> to vector<2000x128xf32>
    %add3A_81 = arith.addf %slice3A_79, %slice3A_80 : vector<2000x128xf32>
    %logistic3A_82 = arith.negf %add3A_81 : vector<2000x128xf32>
    %logistic3A_83 = math.exp %logistic3A_82 : vector<2000x128xf32>
    %logistic3A_84 = arith.constant 1.000000e+00 : f32
    %logistic3A_85 = vector.broadcast %logistic3A_84 : f32 to vector<2000x128xf32>
    %logistic3A_86 = arith.addf %logistic3A_85, %logistic3A_83 : vector<2000x128xf32>
    %logistic3A_87 = arith.divf %logistic3A_85, %logistic3A_86 : vector<2000x128xf32>
    %slice3A_88 = vector.extract_strided_slice %add3A_58 {offsets = [0, 256], sizes = [2000, 128], strides = [1, 1]} : vector<2000x384xf32> to vector<2000x128xf32>
    %slice3A_89 = vector.extract_strided_slice %add3A_70 {offsets = [0, 256], sizes = [2000, 128], strides = [1, 1]} : vector<2000x384xf32> to vector<2000x128xf32>
    %mul3A_90 = arith.mulf %logistic3A_78, %slice3A_89 : vector<2000x128xf32>
    %add3A_91 = arith.addf %slice3A_88, %mul3A_90 : vector<2000x128xf32>
    %tanh3A = math.tanh %add3A_91 : vector<2000x128xf32>
    %sub3A = arith.constant 1.000000e+00 : f32
    %sub3A_92 = vector.broadcast %sub3A : f32 to vector<2000x128xf32>
    %sub3A_93 = arith.subf %sub3A_92, %logistic3A_87 : vector<2000x128xf32>
    %mul3A_94 = arith.mulf %sub3A_93, %tanh3A : vector<2000x128xf32>
    %mul3A_95 = arith.mulf %logistic3A_87, %get3A_1 : vector<2000x128xf32>
    %add3A_96 = arith.addf %mul3A_94, %mul3A_95 : vector<2000x128xf32>
    %swap3A = arith.constant 0 : index
    %swap3A_97 = arith.constant 0 : index
    %swap3A_98 = vector.load %arg12[%swap3A, %swap3A_97] : memref<2000x128xf32, #tpu.memory_space<vmem>>, vector<2000x128xf32>
    tpu.vector_store %arg12[%swap3A, %swap3A_97], %add3A_96 {strides = array<i32>} : memref<2000x128xf32, #tpu.memory_space<vmem>>, vector<2000x128xf32>,
    return
  }
  func.func @transform_0(%arg0: i32) -> (i32, i32) {
    %c0_i32 = arith.constant 0 : i32
    %c0_i32_0 = arith.constant 0 : i32
    return %arg0, %c0_i32 : i32, i32
  }
  func.func @transform_1(%arg0: i32) -> (i32, i32, i32) {
    %c0_i32 = arith.constant 0 : i32
    %c0_i32_0 = arith.constant 0 : i32
    %c0_i32_1 = arith.constant 0 : i32
    return %c0_i32, %arg0, %c0_i32_0 : i32, i32, i32
  }
  func.func @transform_2(%arg0: i32) -> (i32, i32, i32) {
    %c0_i32 = arith.constant 0 : i32
    %c0_i32_0 = arith.constant 0 : i32
    %c0_i32_1 = arith.constant 0 : i32
    return %c0_i32, %arg0, %c0_i32_0 : i32, i32, i32
  }
  func.func @transform_3(%arg0: i32) -> (i32, i32) {
    %c0_i32 = arith.constant 0 : i32
    %c0_i32_0 = arith.constant 0 : i32
    %c0_i32_1 = arith.constant 0 : i32
    return %c0_i32, %c0_i32_0 : i32, i32
  }
  func.func @transform_4(%arg0: i32) -> (i32, i32) {
    %c0_i32 = arith.constant 0 : i32
    %c0_i32_0 = arith.constant 0 : i32
    %c0_i32_1 = arith.constant 0 : i32
    return %c0_i32, %c0_i32_0 : i32, i32
  }
  func.func @transform_5(%arg0: i32) -> (i32, i32) {
    %c0_i32 = arith.constant 0 : i32
    %c0_i32_0 = arith.constant 0 : i32
    %c0_i32_1 = arith.constant 0 : i32
    return %c0_i32, %c0_i32_0 : i32, i32
  }
  func.func @transform_6(%arg0: i32) -> (i32, i32) {
    %c0_i32 = arith.constant 0 : i32
    %c0_i32_0 = arith.constant 0 : i32
    %c0_i32_1 = arith.constant 0 : i32
    return %c0_i32, %c0_i32_0 : i32, i32
  }
  func.func @transform_7(%arg0: i32) -> (i32, i32) {
    %c0_i32 = arith.constant 0 : i32
    %c0_i32_0 = arith.constant 0 : i32
    %c0_i32_1 = arith.constant 0 : i32
    return %c0_i32, %c0_i32_0 : i32, i32
  }
  func.func @transform_8(%arg0: i32) -> (i32, i32) {
    %c0_i32 = arith.constant 0 : i32
    %c0_i32_0 = arith.constant 0 : i32
    %c0_i32_1 = arith.constant 0 : i32
    return %c0_i32, %c0_i32_0 : i32, i32
  }
  func.func @transform_9(%arg0: i32) -> (i32, i32) {
    %c0_i32 = arith.constant 0 : i32
    %c0_i32_0 = arith.constant 0 : i32
    %c0_i32_1 = arith.constant 0 : i32
    return %c0_i32, %c0_i32_0 : i32, i32
  }
  func.func @transform_10(%arg0: i32) -> (i32, i32) {
    %c0_i32 = arith.constant 0 : i32
    %c0_i32_0 = arith.constant 0 : i32
    %c0_i32_1 = arith.constant 0 : i32
    return %c0_i32, %c0_i32_0 : i32, i32
  }
  func.func @transform_11(%arg0: i32) -> (i32, i32) {
    %c0_i32 = arith.constant 0 : i32
    %c0_i32_0 = arith.constant 0 : i32
    return %arg0, %c0_i32 : i32, i32
  }
}

</mosaic_0001>

<sc_bundles>
// kernel: kernel.10.cloned.1.call-start
scs
__scs_entry_jumppad:
0x0: {  	(pc) =	sbr.rel $0x88, $3  }
0x1: {  	(tag) =	ssettag $0x0;
	lr =	simm.s32 $0x1  }
0x2: {  	[smem:$0x3F98] =	sst lr;
	_ =	strace $0xD0000000  }
0x3: {  	_ = 	snop  }
0x4: {  	_ = 	snop  }
0x5: {  	_ = 	snop  }
0x6: {  	_ = 	snop  }
0x7: {  	_ = 	snop  }
__scs_overlays_trampoline_lowered:
0x8: {  	[smem:$0x3FA7] =	sst s0  }
0x9: {  	[smem:$0x3FA8] =	sst s1  }
0xa: {  	[smem:$0x3FA9] =	sst s2  }
0xb: {  	[smem:$0x3FAA] =	sst s3  }
0xc: {  	[smem:$0x3FAB] =	sst s4  }
0xd: {  	[smem:$0x3FAC] =	sst s5  }
0xe: {  	[smem:$0x3FAD] =	sst s6  }
0xf: {  	[smem:$0x3FAE] =	sst s7  }
0x10: {  	[smem:$0x3FAF] =	sst s8  }
0x11: {  	[smem:$0x3FB0] =	sst s9;
	s0 =	simm.s32 @!p0 $0x0  }
0x12: {  	s1 =	sld [smem:$0x3F96];
	s0 =	simm.s32 @p0 $0x1  }
0x13: {  	[smem:$0x3FB1] =	sst s0;
	s0 =	simm.s32 @!p1 $0x0  }
0x14: {  	s2 =	sld [smem:$0x3F95];
	s0 =	simm.s32 @p1 $0x1  }
0x15: {  	[smem:$0x3FB2] =	sst s0;
	s0 =	simm.s32 @!p2 $0x0  }
0x16: {  	s3 =	sld [smem:$0x3FDB];
	s0 =	simm.s32 @p2 $0x1  }
0x17: {  	s4 =	simm.s32 $0x1BF5;
	[smem:$0x3FB4] =	sst s0  }
0x18: {  	s0 =	sld [smem:$0x3F97];
	_ =	swait.ge [sflag:s4], $0x0  }
0x19: {  	s7 =	sld [smem:$0x3F98]  }
0x1a: {  	s8 =	sadd.s32 $0xFFFFE003, lr  }
0x1b: {  	s9 =	sadd.s32 $0xFFFFFEF7, lr;
	s5 =	simm.s32 $0xFFFFFFFF;
	p2 =	slt.u32 s8, $0xFFFFF086  }
0x1c: {  	p1 =	slt.u32 s9, $0xF7A;
	s5 =	simm.s32 @!p2 $0x0  }
0x1d: {  	s5 =	simm.s32 @p1 $0x1;
	p0 =	seq.s32 s7, s2  }
0x1e: {  	s7 =	smul.u32 @!p0 $0xF7A, s2;
	p2 =	seq.s32 @!p0 s5, $0x0  }
0x1f: {  	s9 =	smul.u32 $0xF7A, s1;
	s8 =	simm.s32 @!p0 $0x1BF5;
	p2 =	por !p2, p0  }
0x20: {  	[sflag:s8] =	ssyncset.s32 @!p0 $0xFFFFF086;
	s6 =	sadd.s32 @!p0 s3, s7;
	s7 =	simm.s32 @!p0 $0x108  }
0x21: {  	s3 =	sadd.s32 s3, s9;
	s6 =	sadd.s32 @!p0 $0x88, s6;
	s7 =	simm.s32 @p2 $0x1082  }
0x22: {  	[simem:s7], [sflag:s8] =	dma.local @!p0 [hbm:s6], $0xF7A  }
0x23: {  	s9 =	sor.u32 $0xD0000000, s2;
	s6 =	simm.s32 $0x108;
	_ =	swait.ge @!p0 [sflag:s8], $0x0  }
0x24: {  	s3 =	sadd.s32 $0x88, s3;
	s6 =	simm.s32 @!p1 $0x1082;
	[sflag:s4] =	ssyncset.s32 $0xFFFFF086  }
0x25: {  	[simem:s6], [sflag:s4] =	dma.local [hbm:s3], $0xF7A  }
0x26: {  	[smem:$0x3F98] =	sst s1;
	(tag) =	ssettag s2;
	_ =	strace s9  }
0x27: {  	s1 =	sld [smem:$0x3FA8]  }
0x28: {  	s2 =	sld [smem:$0x3FA9]  }
0x29: {  	s4 =	sld [smem:$0x3FAB]  }
0x2a: {  	p0 =	seq.s32 s5, $0x0;
	s5 =	sld [smem:$0x3FAC]  }
0x2b: {  	s6 =	sld [smem:$0x3FAD]  }
0x2c: {  	s7 =	sld [smem:$0x3FAE]  }
0x2d: {  	s3 =	simm.s32 $0x108;
	s8 =	sld [smem:$0x3FAF]  }
0x2e: {  	s3 =	simm.s32 @!p0 $0x1082;
	s9 =	sld [smem:$0x3FB0]  }
0x2f: {  	lr =	sadd.s32 s0, s3;
	s0 =	sld [smem:$0x3FA7]  }
0x30: {  	s3 =	sld [smem:$0x3FAA]  }
0x31: {  	[smem:$0x3FB3] =	sst s10  }
0x32: {  	s10 =	sld [smem:$0x3FB1];
	_ =	sdelay $0x3  }
0x33: {  	p0 =	seq.s32 s10, $0x1;
	s10 =	sld [smem:$0x3FB3];
	_ =	sdelay $0x3  }
0x34: {  	[smem:$0x3FB3] =	sst s10  }
0x35: {  	s10 =	sld [smem:$0x3FB2];
	_ =	sdelay $0x3  }
0x36: {  	p1 =	seq.s32 s10, $0x1;
	s10 =	sld [smem:$0x3FB3];
	_ =	sdelay $0x3  }
0x37: {  	[smem:$0x3FB3] =	sst s10  }
0x38: {  	s10 =	sld [smem:$0x3FB4]  }
0x39: {  	_ = 	snop;
	(pc) =	sbr.ind lr, $3  }
0x3a: {  	_ = 	snop  }
0x3b: {  	_ = 	snop  }
0x3c: {  	p2 =	seq.s32 s10, $0x1;
	s10 =	sld [smem:$0x3FB3]  }
0x3d: {  	_ =	shalt  }
0x3e: {  	_ =	shalt  }
0x3f: {  	_ =	shalt  }
0x40: {  	_ =	shalt  }
0x41: {  	_ =	shalt  }
0x42: {  	_ =	shalt  }
0x43: {  	_ =	shalt  }
0x44: {  	_ =	shalt  }
0x45: {  	_ =	shalt  }
0x46: {  	_ =	shalt  }
0x47: {  	_ =	shalt  }
0x48: {  	_ =	shalt  }
0x49: {  	_ =	shalt  }
0x4a: {  	_ =	shalt  }
0x4b: {  	_ =	shalt  }
0x4c: {  	_ =	shalt  }
0x4d: {  	_ =	shalt  }
0x4e: {  	_ =	shalt  }
0x4f: {  	_ =	shalt  }
0x50: {  	_ =	shalt  }
0x51: {  	_ =	shalt  }
0x52: {  	_ =	shalt  }
0x53: {  	_ =	shalt  }
0x54: {  	_ =	shalt  }
0x55: {  	_ =	shalt  }
0x56: {  	_ =	shalt  }
0x57: {  	_ =	shalt  }
0x58: {  	_ =	shalt  }
0x59: {  	_ =	shalt  }
0x5a: {  	_ =	shalt  }
0x5b: {  	_ =	shalt  }
0x5c: {  	_ =	shalt  }
0x5d: {  	_ =	shalt  }
0x5e: {  	_ =	shalt  }
0x5f: {  	_ =	shalt  }
0x60: {  	_ =	shalt  }
0x61: {  	_ =	shalt  }
0x62: {  	_ =	shalt  }
0x63: {  	_ =	shalt  }
0x64: {  	_ =	shalt  }
0x65: {  	_ =	shalt  }
0x66: {  	_ =	shalt  }
0x67: {  	_ =	shalt  }
0x68: {  	_ =	shalt  }
0x69: {  	_ =	shalt  }
0x6a: {  	_ =	shalt  }
0x6b: {  	_ =	shalt  }
0x6c: {  	_ =	shalt  }
0x6d: {  	_ =	shalt  }
0x6e: {  	_ =	shalt  }
0x6f: {  	_ =	shalt  }
0x70: {  	_ =	shalt  }
0x71: {  	_ =	shalt  }
0x72: {  	_ =	shalt  }
0x73: {  	_ =	shalt  }
0x74: {  	_ =	shalt  }
0x75: {  	_ =	shalt  }
0x76: {  	_ =	shalt  }
0x77: {  	_ =	shalt  }
0x78: {  	_ =	shalt  }
0x79: {  	_ =	shalt  }
0x7a: {  	_ =	shalt  }
0x7b: {  	_ =	shalt  }
0x7c: {  	_ =	shalt  }
0x7d: {  	_ =	shalt  }
0x7e: {  	_ =	shalt  }
0x7f: {  	_ =	shalt  }
0x80: {  	_ =	shalt  }
0x81: {  	_ =	shalt  }
0x82: {  	_ =	shalt  }
0x83: {  	_ =	shalt  }
0x84: {  	_ =	shalt  }
0x85: {  	_ =	shalt  }
0x86: {  	_ =	shalt  }
0x87: {  	_ =	shalt  }
.Lfunc_end0:
.L_simem_size_0:
called_computation.1_lowered:
.L_overlay_start_0:
0x88: {  	s2 =	sld [smem:$0x3FD9]  }
0x89: {  	s3 =	sld [smem:$0x3FFE];
	_ =	sdelay $0x1  }
0x8a: {  	s1 =	srdreg.scid  }
0x8b: {  	s0 =	sand.u32 $0x1, s1  }
0x8c: {  	s17 =	sshll.u32 s0, $0xA;
	s2 =	sadd.s32 s3, s2  }
0x8d: {  	s2 =	sadd.s32 s2, s17  }
0x8e: {  	[smem:$0x3FBF] =	sst s2  }
0x8f: {  	_ = 	snop  }
0x90: {  	s2 =	sld [smem:$0x3FD0];
	(tm) =	ssettm $0x1  }
0x91: {  	s18 =	sld [smem:$0x3FFB];
	_ =	sdelay $0x3  }
0x92: {  	_ =	strace s18  }
0x93: {  	s3 =	sld [smem:$0x3FFC];
	_ =	sdelay $0x3  }
0x94: {  	_ =	strace s3  }
0x95: {  	s3 =	sld [smem:$0x3FFD];
	_ =	sdelay $0x3  }
0x96: {  	_ =	strace s3  }
0x97: {  	_ =	strace $0x8FFFFFFF  }
0x98: {  	s19 =	sld [smem:$0x3FDB];
	_ =	sdelay $0x1  }
0x99: {  	s4 =	simm.s32 $_scs_section_size  }
0x9a: {  	s5 =	simm.s32 $_size__tile_overlayer_lowered;
	s6 =	simm.s32 $_tile_overlayer_lowered  }
0x9b: {  	s22 =	simm.s32 $0x1BFF;
	s21 =	sshll.u32 s6, $0x1;
	s3 =	sadd.s32 s4, s19  }
0x9c: {  	s7 =	simm.s32 $0x0;
	s20 =	sshll.u32 s5, $0x1;
	s5 =	sadd.s32 s21, s3  }
0x9d: {  	[timem:s7], [sflag:s22] =	dma.local [hbm:s5], s20  }
0x9e: {  	_ =	swait.ge [sflag:s22], s20  }
0x9f: {  	s4 =	ssub.s32 $0x0, s20;
	[sflag:s22] =	ssyncset.done $0x0  }
0xa0: {  	[sflag:s22] =	ssyncadd.s32 s4;
	_ =	sdelay $0x1  }
0xa1: {  	s23 =	simm.s32 $0x1B8B  }
0xa2: {  	_ =	swait.ge [sflag:s23], $0x1  }
0xa3: {  	[sflag:s23] =	ssyncset.done $0x0  }
0xa4: {  	s25 =	simm.s32 $0x1B8E;
	s24 =	sld [smem:$0x3FFE];
	[sflag:s23] =	ssyncadd.s32 $0xFFFFFFFF  }
0xa5: {  	s26 =	simm.s32 $execute0_lowered;
	[smem:$0x3FD2] =	sst s25  }
0xa6: {  	s5 =	sshll.u32 s26, $0x1;
	_ =	strace $0x80000049;
	[dreg:$0x1] =	wrdreg $0xFFFFFFFF  }
0xa7: {  	s28 =	simm.s32 $_size_execute0_lowered;
	s3 =	sadd.s32 s3, s5;
	[dreg:$0x0] =	wrdreg $0x0  }
0xa8: {  	s5 =	sshll.u32 s28, $0x1;
	[dreg:$0x2] =	wrdreg s3  }
0xa9: {  	[dreg:$0x3] =	wrdreg s5  }
0xaa: {  	[dreg:$0x4] =	wrdreg $0xC0  }
0xab: {  	_ =	task [dreg:s7], $0x5FFFF  }
0xac: {  	[dreg:$0x1] =	wrdreg $0xFFFFFFFF  }
0xad: {  	[dreg:$0x0] =	wrdreg $0x60  }
0xae: {  	[dreg:$0x2] =	wrdreg s2  }
0xaf: {  	[dreg:$0x3] =	wrdreg s24  }
0xb0: {  	[dreg:$0x4] =	wrdreg $0x90000  }
0xb1: {  	[dreg:$0x5] =	wrdreg $0x9  }
0xb2: {  	_ =	task.clear_ibuf [dreg:s7], $0x6FFFF;
	_ =	strace $0x90000049  }
0xb3: {  	s29 =	simm.s32 $0x9;
	_ =	strace $0x8000004B  }
0xb4: {  	_ =	swait.ge [sflag:s29], $0x1  }
0xb5: {  	[sflag:s29] =	ssyncadd.s32 $0xFFFFFFFF  }
0xb6: {  	_ =	strace $0x9000004B  }
0xb7: {  	_ =	sfence  }
0xb8: {  	s30 =	sld [smem:$0x0];
	_ =	sdelay $0x2  }
0xb9: {  	s31 =	sshll.u32 s1, $0xD;
	s1 =	sshrl.u32 s1, $0x2  }
0xba: {  	s3 =	sand.u32 $0x4000, s31;
	s1 =	sadd.s32 s1, s30  }
0xbb: {  	s0 =	sor.u32 s3, s0;
	s1 =	sshll.u32 s1, $0x11  }
0xbc: {  	s0 =	sor.u32 s1, s0  }
0xbd: {  	s0 =	sadd.s32 $0x8F2B, s0  }
0xbe: {  	[sflag:s0] =	ssyncadd.remote.s32 $0x1  }
0xbf: {  	_ =	sfence.sel $0xFFFF  }
0xc0: {  	[dreg:$0x0] =	wrdreg $0xFFFFFFFF;
	(pc) =	sbr.abs _section_cstart, $3  }
0xc1: {  	[dreg:$0x1] =	wrdreg $0xFFFFFFFF  }
0xc2: {  	_ =	task.clear_ibuf [dreg:s7], $0x2FFFF;
	_ =	strace $0x9FFFFFFF  }
0xc3: {  	(tm) =	ssettm $0x7FFFFFFF  }
tec
execute0_lowered:
.L_overlay_start_1:
0x0: {  	(tag) =	ssettag $0x1  }
0x1: {  	s1 =	rddreg [dreg:$0x0]  }
0x2: {  	s0 =	srdreg.scid;
	s7 =	rddreg [dreg:$0x1]  }
0x3: {  	s3 =	rddreg [dreg:$0x2];
	s4 =	simm.s32 $0x0;
	s14 =	simm.s32 $0x6800  }
0x4: {  	s15 =	simm.s32 $0x80;
	s16 =	simm.s32 $0x1;
	s6 =	sand.u32 $0x1, s0  }
0x5: {  	s17 =	simm.s32 $0x0;
	s0 =	stileid.u32;
	s8 =	smul.u32 $0x140000, s6  }
0x6: {  	[smem:$0x7FF] =	sst s4;
	s2 =	sshll.u32 s6, $0x4;
	s9 =	smul.u32 $0x14000, s0  }
0x7: {  	s28 =	smul.u32 $0x50000, s0;
	s6 =	ssub.s32 $0x2, s6;
	s2 =	sor.u32 s0, s2  }
0x8: {  	s31 =	sshll.u32 s0, $0x6;
	s29 =	sshrl.u32 s6, $0x1;
	s5 =	smul.u32 $0x500, s2  }
0x9: {  	s2 =	rddreg [dreg:$0x3];
	_ =	strace $0x8000004A;
	s8 =	sadd.s32 s9, s8  }
0xa: {  	s30 =	sshrl.u32 s28, $0x2;
	s12 =	ssub.s32 s6, s29;
	s6 =	sor.u32 $0x1C02, s31  }
0xb: {  	s8 =	sshrl.u32 s8, $0x3;
	s13 =	sadd.s32 s30, s3;
	s10 =	sadd.s32 s5, s7  }
0xc: {  	s5 =	sadd.s32 $0x68E00, s7;
	s11 =	sadd.s32 s8, s7;
	s7 =	sadd.s32 $0x5EC00, s10  }
0xd: {  	s8 =	sadd.s32 $0x2400, s10;
	s9 =	sadd.s32 $0x6B600, s11;
	s10 =	smax.u32 s12, $0x1  }
0xe: {  	s11 =	sshrl.u32 s13, $0x3;
	s12 =	simm.s32 $0x2;
	s13 =	simm.s32 $0x4000  }
.LBB2_1:
0xf: {  	[spmem:s11], [sflag:s6] =	dma.local [hbm:s5], $0x2800  }
0x10: {  	_ =	swait.ge [sflag:s12], $0x2800  }
0x11: {  	[sflag:s12] =	ssyncset.done $0x0  }
0x12: {  	[sflag:s12] =	ssyncadd.s32 $0xFFFFD800  }
0x13: {  	[tilespmem:s13], [sflag:$0x2] =	stream.linear.gather [hbm4b:s7+s4], $0x2780, $0x38;
	[tilespmem:$0x1D000] =	vst v63  }
0x14: {  	_ =	swait.ge [sflag:s12], $0x2780  }
0x15: {  	[sflag:s12] =	ssyncset.done $0x0  }
0x16: {  	[sflag:s12] =	ssyncadd.s32 $0xFFFFD880  }
0x17: {  	[tilespmem:s14], [sflag:$0x2] =	stream.linear.gather [hbm4b:s8+s4], $0x2780, $0x38;
	[tilespmem:$0x1D000] =	vst v63  }
0x18: {  	_ =	swait.ge [sflag:s12], $0x2780  }
0x19: {  	[sflag:s12] =	ssyncset.done $0x0  }
0x1a: {  	[sflag:s12] =	ssyncadd.s32 $0xFFFFD880  }
0x1b: {  	s18 =	simm.s32 $0x4000;
	[bflag:$0x0] =	sbarrier.arrive $0xFFFF  }
0x1c: {  	[tilespmem:s4], [sflag:$0x1] =	stream.indirect.gather [hbm4b:s1+s15], $0x80, s18, s15, $0xb8;
	[tilespmem:$0x1D000] =	vst v63  }
0x1d: {  	_ =	swait.ge [sflag:s16], $0x4000  }
0x1e: {  	[sflag:s16] =	ssyncset.done $0x0  }
0x1f: {  	s31 =	simm.s32 $0x6800;
	[sflag:s16] =	ssyncadd.s32 $0xFFFFC000  }
0x20: {  	[spmem:s3] =	stream.indirect.scatter.add.f32 [tilespmem:s4], [sflag:$0x2], $0x80, s31, s15, $0xb8;
	[tilespmem:$0x1D000] =	vst v63  }
0x21: {  	_ =	swait.ge [sflag:s12], $0x4000  }
0x22: {  	s19 =	simm.s32 $0x400;
	s18 =	simm.s32 $0x80;
	[sflag:s12] =	ssyncset.done $0x0  }
.LBB2_2:
0x23: {  	s20 =	sadd.s32 $0x4000, s18  }
0x24: {  	[sflag:s12] =	ssyncadd.s32 $0xFFFFC000;
	s21 =	smov.u32 s19;
	s22 =	sadd.s32 $0x200, s19  }
0x25: {  	[tilespmem:s4], [sflag:$0x1] =	stream.indirect.gather [hbm4b:s1+s15], $0x80, s20, s15, $0xb8;
	[tilespmem:$0x1D000] =	vst v63  }
0x26: {  	p0 =	sne.s32 s19, $0x9C00;
	_ =	swait.ge [sflag:s16], $0x4000  }
.Ltmp0:
0x27: {  	[sflag:s16] =	ssyncset.done $0x0;
	(pc) =	sbr.rel @p0 .LBB2_2-.Ltmp0, $4  }
0x28: {  	s18 =	sadd.s32 $0x6800, s18;
	[sflag:s16] =	ssyncadd.s32 $0xFFFFC000  }
0x29: {  	[spmem:s3] =	stream.indirect.scatter.add.f32 [tilespmem:s4], [sflag:$0x2], $0x80, s18, s15, $0xb8;
	[tilespmem:$0x1D000] =	vst v63  }
0x2a: {  	_ =	swait.ge [sflag:s12], $0x4000  }
0x2b: {  	s19 =	smov.u32 s22;
	s18 =	sshra.s32 s21, $0x2;
	[sflag:s12] =	ssyncset.done $0x0  }
0x2c: {  	s19 =	sadd.s32 $0x4000, s18;
	[sflag:s12] =	ssyncadd.s32 $0xFFFFC000  }
0x2d: {  	[tilespmem:s4], [sflag:$0x1] =	stream.indirect.gather [hbm4b:s1+s15], $0x80, s19, s15, $0xb8;
	[tilespmem:$0x1D000] =	vst v63  }
0x2e: {  	_ =	swait.ge [sflag:s16], $0x4000  }
0x2f: {  	[sflag:s16] =	ssyncset.done $0x0  }
0x30: {  	s31 =	sadd.s32 $0x6800, s18;
	[sflag:s16] =	ssyncadd.s32 $0xFFFFC000  }
0x31: {  	[spmem:s3] =	stream.indirect.scatter.add.f32 [tilespmem:s4], [sflag:$0x2], $0x80, s31, s15, $0xb8;
	[tilespmem:$0x1D000] =	vst v63  }
0x32: {  	_ =	swait.ge [sflag:s12], $0x4000  }
0x33: {  	s17 =	sadd.s32 $0x1, s17;
	[sflag:s12] =	ssyncset.done $0x0  }
0x34: {  	p0 =	sne.s32 s17, s10;
	[sflag:s12] =	ssyncadd.s32 $0xFFFFC000  }
.Ltmp1:
0x35: {  	[bflag:$0x0] =	sbarrier.arrive $0xFFFF;
	(pc) =	sbr.rel @p0 .LBB2_1-.Ltmp1, $4  }
0x36: {  	[hbm:s9], [sflag:s6] =	dma.local [spmem:s11], $0x2800  }
0x37: {  	_ =	swait.ge [sflag:s12], $0x2800  }
0x38: {  	[sflag:s12] =	ssyncset.done $0x0  }
0x39: {  	[sflag:s12] =	ssyncadd.s32 $0xFFFFD800  }
0x3a: {  	_ =	sfence.sel $0x180000  }
0x3b: {  	[bflag:$0x0] =	sbarrier.arrive $0xFFFF  }
0x3c: {  	p0 =	sne.s32 s0, $0x0;
	_ =	strace $0x9000004A  }
0x3d: {  	s0 =	sadd.s32 @!p0 $0x100000, s2;
	[bflag:$0x2] =	sbarrier.arrive $0xFFFF  }
0x3e: {  	[sflag:s0] =	ssyncadd.tile.s32 @!p0 $0x1;
	_ =	shalt  }
.Lfunc_end2:
_tile_overlayer_lowered:
.L_overlay_start_2:
0x3f: {  	(tag) =	ssettag $0x2  }
0x40: {  	s0 =	rddreg [dreg:$0x0];
	s2 =	stileid.u32  }
0x41: {  	s1 =	rddreg [dreg:$0x1];
	p0 =	sne.s32 s2, $0x0  }
0x42: {  	s3 =	rddreg [dreg:$0x2];
	[bflag:$0x3] =	sbarrier.arrive $0xFFFF;
	s2 =	simm.s32 @!p0 $0x1C02  }
0x43: {  	[timem:s3], [sflag:s2] =	dma.local @!p0 [hbm:s0], s1  }
0x44: {  	s0 =	simm.s32 @!p0 $0x2  }
0x45: {  	_ =	swait.ge @!p0 [sflag:s0], s1  }
0x46: {  	s1 =	ssub.s32 @!p0 $0x0, s1;
	[sflag:s0] =	ssyncset.done @!p0 $0x0  }
0x47: {  	[sflag:s0] =	ssyncadd.s32 @!p0 s1  }
0x48: {  	[bflag:$0x3] =	sbarrier.arrive $0xFFFF  }
0x49: {  	_ =	shalt  }

// kernel: kernel.13.cloned.1.call-start
scs
__scs_entry_jumppad:
0x0: {  	(pc) =	sbr.rel $0x88, $3  }
0x1: {  	(tag) =	ssettag $0x0;
	lr =	simm.s32 $0x1  }
0x2: {  	[smem:$0x3F98] =	sst lr;
	_ =	strace $0xD0000000  }
0x3: {  	_ = 	snop  }
0x4: {  	_ = 	snop  }
0x5: {  	_ = 	snop  }
0x6: {  	_ = 	snop  }
0x7: {  	_ = 	snop  }
__scs_overlays_trampoline_lowered:
0x8: {  	[smem:$0x3FA7] =	sst s0  }
0x9: {  	[smem:$0x3FA8] =	sst s1  }
0xa: {  	[smem:$0x3FA9] =	sst s2  }
0xb: {  	[smem:$0x3FAA] =	sst s3  }
0xc: {  	[smem:$0x3FAB] =	sst s4  }
0xd: {  	[smem:$0x3FAC] =	sst s5  }
0xe: {  	[smem:$0x3FAD] =	sst s6  }
0xf: {  	[smem:$0x3FAE] =	sst s7  }
0x10: {  	[smem:$0x3FAF] =	sst s8  }
0x11: {  	[smem:$0x3FB0] =	sst s9;
	s0 =	simm.s32 @!p0 $0x0  }
0x12: {  	s1 =	sld [smem:$0x3F96];
	s0 =	simm.s32 @p0 $0x1  }
0x13: {  	[smem:$0x3FB1] =	sst s0;
	s0 =	simm.s32 @!p1 $0x0  }
0x14: {  	s2 =	sld [smem:$0x3F95];
	s0 =	simm.s32 @p1 $0x1  }
0x15: {  	[smem:$0x3FB2] =	sst s0;
	s0 =	simm.s32 @!p2 $0x0  }
0x16: {  	s3 =	sld [smem:$0x3FDB];
	s0 =	simm.s32 @p2 $0x1  }
0x17: {  	s4 =	simm.s32 $0x1BF5;
	[smem:$0x3FB4] =	sst s0  }
0x18: {  	s0 =	sld [smem:$0x3F97];
	_ =	swait.ge [sflag:s4], $0x0  }
0x19: {  	s7 =	sld [smem:$0x3F98]  }
0x1a: {  	s8 =	sadd.s32 $0xFFFFE003, lr  }
0x1b: {  	s9 =	sadd.s32 $0xFFFFFEF7, lr;
	s5 =	simm.s32 $0xFFFFFFFF;
	p2 =	slt.u32 s8, $0xFFFFF086  }
0x1c: {  	p1 =	slt.u32 s9, $0xF7A;
	s5 =	simm.s32 @!p2 $0x0  }
0x1d: {  	s5 =	simm.s32 @p1 $0x1;
	p0 =	seq.s32 s7, s2  }
0x1e: {  	s7 =	smul.u32 @!p0 $0xF7A, s2;
	p2 =	seq.s32 @!p0 s5, $0x0  }
0x1f: {  	s9 =	smul.u32 $0xF7A, s1;
	s8 =	simm.s32 @!p0 $0x1BF5;
	p2 =	por !p2, p0  }
0x20: {  	[sflag:s8] =	ssyncset.s32 @!p0 $0xFFFFF086;
	s6 =	sadd.s32 @!p0 s3, s7;
	s7 =	simm.s32 @!p0 $0x108  }
0x21: {  	s3 =	sadd.s32 s3, s9;
	s6 =	sadd.s32 @!p0 $0x88, s6;
	s7 =	simm.s32 @p2 $0x1082  }
0x22: {  	[simem:s7], [sflag:s8] =	dma.local @!p0 [hbm:s6], $0xF7A  }
0x23: {  	s9 =	sor.u32 $0xD0000000, s2;
	s6 =	simm.s32 $0x108;
	_ =	swait.ge @!p0 [sflag:s8], $0x0  }
0x24: {  	s3 =	sadd.s32 $0x88, s3;
	s6 =	simm.s32 @!p1 $0x1082;
	[sflag:s4] =	ssyncset.s32 $0xFFFFF086  }
0x25: {  	[simem:s6], [sflag:s4] =	dma.local [hbm:s3], $0xF7A  }
0x26: {  	[smem:$0x3F98] =	sst s1;
	(tag) =	ssettag s2;
	_ =	strace s9  }
0x27: {  	s1 =	sld [smem:$0x3FA8]  }
0x28: {  	s2 =	sld [smem:$0x3FA9]  }
0x29: {  	s4 =	sld [smem:$0x3FAB]  }
0x2a: {  	p0 =	seq.s32 s5, $0x0;
	s5 =	sld [smem:$0x3FAC]  }
0x2b: {  	s6 =	sld [smem:$0x3FAD]  }
0x2c: {  	s7 =	sld [smem:$0x3FAE]  }
0x2d: {  	s3 =	simm.s32 $0x108;
	s8 =	sld [smem:$0x3FAF]  }
0x2e: {  	s3 =	simm.s32 @!p0 $0x1082;
	s9 =	sld [smem:$0x3FB0]  }
0x2f: {  	lr =	sadd.s32 s0, s3;
	s0 =	sld [smem:$0x3FA7]  }
0x30: {  	s3 =	sld [smem:$0x3FAA]  }
0x31: {  	[smem:$0x3FB3] =	sst s10  }
0x32: {  	s10 =	sld [smem:$0x3FB1];
	_ =	sdelay $0x3  }
0x33: {  	p0 =	seq.s32 s10, $0x1;
	s10 =	sld [smem:$0x3FB3];
	_ =	sdelay $0x3  }
0x34: {  	[smem:$0x3FB3] =	sst s10  }
0x35: {  	s10 =	sld [smem:$0x3FB2];
	_ =	sdelay $0x3  }
0x36: {  	p1 =	seq.s32 s10, $0x1;
	s10 =	sld [smem:$0x3FB3];
	_ =	sdelay $0x3  }
0x37: {  	[smem:$0x3FB3] =	sst s10  }
0x38: {  	s10 =	sld [smem:$0x3FB4]  }
0x39: {  	_ = 	snop;
	(pc) =	sbr.ind lr, $3  }
0x3a: {  	_ = 	snop  }
0x3b: {  	_ = 	snop  }
0x3c: {  	p2 =	seq.s32 s10, $0x1;
	s10 =	sld [smem:$0x3FB3]  }
0x3d: {  	_ =	shalt  }
0x3e: {  	_ =	shalt  }
0x3f: {  	_ =	shalt  }
0x40: {  	_ =	shalt  }
0x41: {  	_ =	shalt  }
0x42: {  	_ =	shalt  }
0x43: {  	_ =	shalt  }
0x44: {  	_ =	shalt  }
0x45: {  	_ =	shalt  }
0x46: {  	_ =	shalt  }
0x47: {  	_ =	shalt  }
0x48: {  	_ =	shalt  }
0x49: {  	_ =	shalt  }
0x4a: {  	_ =	shalt  }
0x4b: {  	_ =	shalt  }
0x4c: {  	_ =	shalt  }
0x4d: {  	_ =	shalt  }
0x4e: {  	_ =	shalt  }
0x4f: {  	_ =	shalt  }
0x50: {  	_ =	shalt  }
0x51: {  	_ =	shalt  }
0x52: {  	_ =	shalt  }
0x53: {  	_ =	shalt  }
0x54: {  	_ =	shalt  }
0x55: {  	_ =	shalt  }
0x56: {  	_ =	shalt  }
0x57: {  	_ =	shalt  }
0x58: {  	_ =	shalt  }
0x59: {  	_ =	shalt  }
0x5a: {  	_ =	shalt  }
0x5b: {  	_ =	shalt  }
0x5c: {  	_ =	shalt  }
0x5d: {  	_ =	shalt  }
0x5e: {  	_ =	shalt  }
0x5f: {  	_ =	shalt  }
0x60: {  	_ =	shalt  }
0x61: {  	_ =	shalt  }
0x62: {  	_ =	shalt  }
0x63: {  	_ =	shalt  }
0x64: {  	_ =	shalt  }
0x65: {  	_ =	shalt  }
0x66: {  	_ =	shalt  }
0x67: {  	_ =	shalt  }
0x68: {  	_ =	shalt  }
0x69: {  	_ =	shalt  }
0x6a: {  	_ =	shalt  }
0x6b: {  	_ =	shalt  }
0x6c: {  	_ =	shalt  }
0x6d: {  	_ =	shalt  }
0x6e: {  	_ =	shalt  }
0x6f: {  	_ =	shalt  }
0x70: {  	_ =	shalt  }
0x71: {  	_ =	shalt  }
0x72: {  	_ =	shalt  }
0x73: {  	_ =	shalt  }
0x74: {  	_ =	shalt  }
0x75: {  	_ =	shalt  }
0x76: {  	_ =	shalt  }
0x77: {  	_ =	shalt  }
0x78: {  	_ =	shalt  }
0x79: {  	_ =	shalt  }
0x7a: {  	_ =	shalt  }
0x7b: {  	_ =	shalt  }
0x7c: {  	_ =	shalt  }
0x7d: {  	_ =	shalt  }
0x7e: {  	_ =	shalt  }
0x7f: {  	_ =	shalt  }
0x80: {  	_ =	shalt  }
0x81: {  	_ =	shalt  }
0x82: {  	_ =	shalt  }
0x83: {  	_ =	shalt  }
0x84: {  	_ =	shalt  }
0x85: {  	_ =	shalt  }
0x86: {  	_ =	shalt  }
0x87: {  	_ =	shalt  }
.Lfunc_end0:
.L_simem_size_0:
called_computation.2_lowered:
.L_overlay_start_0:
0x88: {  	s2 =	sld [smem:$0x3FD9]  }
0x89: {  	s3 =	sld [smem:$0x3FFE];
	_ =	sdelay $0x1  }
0x8a: {  	s1 =	srdreg.scid  }
0x8b: {  	s0 =	sand.u32 $0x1, s1  }
0x8c: {  	s17 =	sshll.u32 s0, $0xA;
	s2 =	sadd.s32 s3, s2  }
0x8d: {  	s2 =	sadd.s32 s2, s17  }
0x8e: {  	[smem:$0x3FBF] =	sst s2  }
0x8f: {  	_ = 	snop  }
0x90: {  	s2 =	sld [smem:$0x3FD0];
	(tm) =	ssettm $0x1  }
0x91: {  	s18 =	sld [smem:$0x3FFB];
	_ =	sdelay $0x3  }
0x92: {  	_ =	strace s18  }
0x93: {  	s3 =	sld [smem:$0x3FFC];
	_ =	sdelay $0x3  }
0x94: {  	_ =	strace s3  }
0x95: {  	s3 =	sld [smem:$0x3FFD];
	_ =	sdelay $0x3  }
0x96: {  	_ =	strace s3  }
0x97: {  	_ =	strace $0x8FFFFFFF  }
0x98: {  	s19 =	sld [smem:$0x3FDB];
	_ =	sdelay $0x1  }
0x99: {  	s4 =	simm.s32 $_scs_section_size  }
0x9a: {  	s5 =	simm.s32 $_size__tile_overlayer_lowered;
	s6 =	simm.s32 $_tile_overlayer_lowered  }
0x9b: {  	s22 =	simm.s32 $0x1BFF;
	s21 =	sshll.u32 s6, $0x1;
	s3 =	sadd.s32 s4, s19  }
0x9c: {  	s7 =	simm.s32 $0x0;
	s20 =	sshll.u32 s5, $0x1;
	s5 =	sadd.s32 s21, s3  }
0x9d: {  	[timem:s7], [sflag:s22] =	dma.local [hbm:s5], s20  }
0x9e: {  	_ =	swait.ge [sflag:s22], s20  }
0x9f: {  	s4 =	ssub.s32 $0x0, s20;
	[sflag:s22] =	ssyncset.done $0x0  }
0xa0: {  	[sflag:s22] =	ssyncadd.s32 s4;
	_ =	sdelay $0x1  }
0xa1: {  	s23 =	simm.s32 $0x1B8B  }
0xa2: {  	_ =	swait.ge [sflag:s23], $0x1  }
0xa3: {  	[sflag:s23] =	ssyncset.done $0x0  }
0xa4: {  	s25 =	simm.s32 $0x1B8E;
	s24 =	sld [smem:$0x3FFE];
	[sflag:s23] =	ssyncadd.s32 $0xFFFFFFFF  }
0xa5: {  	s26 =	simm.s32 $execute0_lowered;
	[smem:$0x3FD2] =	sst s25  }
0xa6: {  	s5 =	sshll.u32 s26, $0x1;
	_ =	strace $0x8000004C;
	[dreg:$0x1] =	wrdreg $0xFFFFFFFF  }
0xa7: {  	s28 =	simm.s32 $_size_execute0_lowered;
	s3 =	sadd.s32 s3, s5;
	[dreg:$0x0] =	wrdreg $0x0  }
0xa8: {  	s5 =	sshll.u32 s28, $0x1;
	[dreg:$0x2] =	wrdreg s3  }
0xa9: {  	[dreg:$0x3] =	wrdreg s5  }
0xaa: {  	[dreg:$0x4] =	wrdreg $0xC0  }
0xab: {  	_ =	task [dreg:s7], $0x5FFFF  }
0xac: {  	[dreg:$0x1] =	wrdreg $0xFFFFFFFF  }
0xad: {  	[dreg:$0x0] =	wrdreg $0x60  }
0xae: {  	[dreg:$0x2] =	wrdreg s2  }
0xaf: {  	[dreg:$0x3] =	wrdreg s24  }
0xb0: {  	[dreg:$0x4] =	wrdreg $0x90000  }
0xb1: {  	[dreg:$0x5] =	wrdreg $0x9  }
0xb2: {  	_ =	task.clear_ibuf [dreg:s7], $0x6FFFF;
	_ =	strace $0x9000004C  }
0xb3: {  	s29 =	simm.s32 $0x9;
	_ =	strace $0x8000004E  }
0xb4: {  	_ =	swait.ge [sflag:s29], $0x1  }
0xb5: {  	[sflag:s29] =	ssyncadd.s32 $0xFFFFFFFF  }
0xb6: {  	_ =	strace $0x9000004E  }
0xb7: {  	_ =	sfence  }
0xb8: {  	s30 =	sld [smem:$0x0];
	_ =	sdelay $0x2  }
0xb9: {  	s31 =	sshll.u32 s1, $0xD;
	s1 =	sshrl.u32 s1, $0x2  }
0xba: {  	s3 =	sand.u32 $0x4000, s31;
	s1 =	sadd.s32 s1, s30  }
0xbb: {  	s0 =	sor.u32 s3, s0;
	s1 =	sshll.u32 s1, $0x11  }
0xbc: {  	s0 =	sor.u32 s1, s0  }
0xbd: {  	s0 =	sadd.s32 $0x8F2B, s0  }
0xbe: {  	[sflag:s0] =	ssyncadd.remote.s32 $0x1  }
0xbf: {  	_ =	sfence.sel $0xFFFF  }
0xc0: {  	[dreg:$0x0] =	wrdreg $0xFFFFFFFF;
	(pc) =	sbr.abs _section_cstart, $3  }
0xc1: {  	[dreg:$0x1] =	wrdreg $0xFFFFFFFF  }
0xc2: {  	_ =	task.clear_ibuf [dreg:s7], $0x2FFFF;
	_ =	strace $0x9FFFFFFF  }
0xc3: {  	(tm) =	ssettm $0x7FFFFFFF  }
tec
execute0_lowered:
.L_overlay_start_1:
0x0: {  	(tag) =	ssettag $0x1  }
0x1: {  	s1 =	rddreg [dreg:$0x0]  }
0x2: {  	s0 =	srdreg.scid;
	s7 =	rddreg [dreg:$0x1]  }
0x3: {  	s3 =	rddreg [dreg:$0x2];
	s4 =	simm.s32 $0x0;
	s14 =	simm.s32 $0x6800  }
0x4: {  	s15 =	simm.s32 $0x80;
	s16 =	simm.s32 $0x1;
	s6 =	sand.u32 $0x1, s0  }
0x5: {  	s17 =	simm.s32 $0x0;
	s0 =	stileid.u32;
	s8 =	smul.u32 $0x140000, s6  }
0x6: {  	[smem:$0x7FF] =	sst s4;
	s2 =	sshll.u32 s6, $0x4;
	s9 =	smul.u32 $0x14000, s0  }
0x7: {  	s28 =	smul.u32 $0x50000, s0;
	s6 =	ssub.s32 $0x2, s6;
	s2 =	sor.u32 s0, s2  }
0x8: {  	s31 =	sshll.u32 s0, $0x6;
	s29 =	sshrl.u32 s6, $0x1;
	s5 =	smul.u32 $0x500, s2  }
0x9: {  	s2 =	rddreg [dreg:$0x3];
	_ =	strace $0x8000004D;
	s8 =	sadd.s32 s9, s8  }
0xa: {  	s30 =	sshrl.u32 s28, $0x2;
	s12 =	ssub.s32 s6, s29;
	s6 =	sor.u32 $0x1C02, s31  }
0xb: {  	s8 =	sshrl.u32 s8, $0x3;
	s13 =	sadd.s32 s30, s3;
	s10 =	sadd.s32 s5, s7  }
0xc: {  	s5 =	sadd.s32 $0xC400, s7;
	s11 =	sadd.s32 s8, s7;
	s7 =	sadd.s32 $0x5EC00, s10  }
0xd: {  	s8 =	sadd.s32 $0x2400, s10;
	s9 =	sadd.s32 $0x68C00, s11;
	s10 =	smax.u32 s12, $0x1  }
0xe: {  	s11 =	sshrl.u32 s13, $0x3;
	s12 =	simm.s32 $0x2;
	s13 =	simm.s32 $0x4000  }
.LBB2_1:
0xf: {  	[spmem:s11], [sflag:s6] =	dma.local [hbm:s5], $0x2800  }
0x10: {  	_ =	swait.ge [sflag:s12], $0x2800  }
0x11: {  	[sflag:s12] =	ssyncset.done $0x0  }
0x12: {  	[sflag:s12] =	ssyncadd.s32 $0xFFFFD800  }
0x13: {  	[tilespmem:s13], [sflag:$0x2] =	stream.linear.gather [hbm4b:s7+s4], $0x2780, $0x38;
	[tilespmem:$0x1D000] =	vst v63  }
0x14: {  	_ =	swait.ge [sflag:s12], $0x2780  }
0x15: {  	[sflag:s12] =	ssyncset.done $0x0  }
0x16: {  	[sflag:s12] =	ssyncadd.s32 $0xFFFFD880  }
0x17: {  	[tilespmem:s14], [sflag:$0x2] =	stream.linear.gather [hbm4b:s8+s4], $0x2780, $0x38;
	[tilespmem:$0x1D000] =	vst v63  }
0x18: {  	_ =	swait.ge [sflag:s12], $0x2780  }
0x19: {  	[sflag:s12] =	ssyncset.done $0x0  }
0x1a: {  	[sflag:s12] =	ssyncadd.s32 $0xFFFFD880  }
0x1b: {  	s18 =	simm.s32 $0x4000;
	[bflag:$0x0] =	sbarrier.arrive $0xFFFF  }
0x1c: {  	[tilespmem:s4], [sflag:$0x1] =	stream.indirect.gather [hbm4b:s1+s15], $0x80, s18, s15, $0xb8;
	[tilespmem:$0x1D000] =	vst v63  }
0x1d: {  	_ =	swait.ge [sflag:s16], $0x4000  }
0x1e: {  	[sflag:s16] =	ssyncset.done $0x0  }
0x1f: {  	s31 =	simm.s32 $0x6800;
	[sflag:s16] =	ssyncadd.s32 $0xFFFFC000  }
0x20: {  	[spmem:s3] =	stream.indirect.scatter.add.f32 [tilespmem:s4], [sflag:$0x2], $0x80, s31, s15, $0xb8;
	[tilespmem:$0x1D000] =	vst v63  }
0x21: {  	_ =	swait.ge [sflag:s12], $0x4000  }
0x22: {  	s19 =	simm.s32 $0x400;
	s18 =	simm.s32 $0x80;
	[sflag:s12] =	ssyncset.done $0x0  }
.LBB2_2:
0x23: {  	s20 =	sadd.s32 $0x4000, s18  }
0x24: {  	[sflag:s12] =	ssyncadd.s32 $0xFFFFC000;
	s21 =	smov.u32 s19;
	s22 =	sadd.s32 $0x200, s19  }
0x25: {  	[tilespmem:s4], [sflag:$0x1] =	stream.indirect.gather [hbm4b:s1+s15], $0x80, s20, s15, $0xb8;
	[tilespmem:$0x1D000] =	vst v63  }
0x26: {  	p0 =	sne.s32 s19, $0x9C00;
	_ =	swait.ge [sflag:s16], $0x4000  }
.Ltmp0:
0x27: {  	[sflag:s16] =	ssyncset.done $0x0;
	(pc) =	sbr.rel @p0 .LBB2_2-.Ltmp0, $4  }
0x28: {  	s18 =	sadd.s32 $0x6800, s18;
	[sflag:s16] =	ssyncadd.s32 $0xFFFFC000  }
0x29: {  	[spmem:s3] =	stream.indirect.scatter.add.f32 [tilespmem:s4], [sflag:$0x2], $0x80, s18, s15, $0xb8;
	[tilespmem:$0x1D000] =	vst v63  }
0x2a: {  	_ =	swait.ge [sflag:s12], $0x4000  }
0x2b: {  	s19 =	smov.u32 s22;
	s18 =	sshra.s32 s21, $0x2;
	[sflag:s12] =	ssyncset.done $0x0  }
0x2c: {  	s19 =	sadd.s32 $0x4000, s18;
	[sflag:s12] =	ssyncadd.s32 $0xFFFFC000  }
0x2d: {  	[tilespmem:s4], [sflag:$0x1] =	stream.indirect.gather [hbm4b:s1+s15], $0x80, s19, s15, $0xb8;
	[tilespmem:$0x1D000] =	vst v63  }
0x2e: {  	_ =	swait.ge [sflag:s16], $0x4000  }
0x2f: {  	[sflag:s16] =	ssyncset.done $0x0  }
0x30: {  	s31 =	sadd.s32 $0x6800, s18;
	[sflag:s16] =	ssyncadd.s32 $0xFFFFC000  }
0x31: {  	[spmem:s3] =	stream.indirect.scatter.add.f32 [tilespmem:s4], [sflag:$0x2], $0x80, s31, s15, $0xb8;
	[tilespmem:$0x1D000] =	vst v63  }
0x32: {  	_ =	swait.ge [sflag:s12], $0x4000  }
0x33: {  	s17 =	sadd.s32 $0x1, s17;
	[sflag:s12] =	ssyncset.done $0x0  }
0x34: {  	p0 =	sne.s32 s17, s10;
	[sflag:s12] =	ssyncadd.s32 $0xFFFFC000  }
.Ltmp1:
0x35: {  	[bflag:$0x0] =	sbarrier.arrive $0xFFFF;
	(pc) =	sbr.rel @p0 .LBB2_1-.Ltmp1, $4  }
0x36: {  	[hbm:s9], [sflag:s6] =	dma.local [spmem:s11], $0x2800  }
0x37: {  	_ =	swait.ge [sflag:s12], $0x2800  }
0x38: {  	[sflag:s12] =	ssyncset.done $0x0  }
0x39: {  	[sflag:s12] =	ssyncadd.s32 $0xFFFFD800  }
0x3a: {  	_ =	sfence.sel $0x180000  }
0x3b: {  	[bflag:$0x0] =	sbarrier.arrive $0xFFFF  }
0x3c: {  	p0 =	sne.s32 s0, $0x0;
	_ =	strace $0x9000004D  }
0x3d: {  	s0 =	sadd.s32 @!p0 $0x100000, s2;
	[bflag:$0x2] =	sbarrier.arrive $0xFFFF  }
0x3e: {  	[sflag:s0] =	ssyncadd.tile.s32 @!p0 $0x1;
	_ =	shalt  }
.Lfunc_end2:
_tile_overlayer_lowered:
.L_overlay_start_2:
0x3f: {  	(tag) =	ssettag $0x2  }
0x40: {  	s0 =	rddreg [dreg:$0x0];
	s2 =	stileid.u32  }
0x41: {  	s1 =	rddreg [dreg:$0x1];
	p0 =	sne.s32 s2, $0x0  }
0x42: {  	s3 =	rddreg [dreg:$0x2];
	[bflag:$0x3] =	sbarrier.arrive $0xFFFF;
	s2 =	simm.s32 @!p0 $0x1C02  }
0x43: {  	[timem:s3], [sflag:s2] =	dma.local @!p0 [hbm:s0], s1  }
0x44: {  	s0 =	simm.s32 @!p0 $0x2  }
0x45: {  	_ =	swait.ge @!p0 [sflag:s0], s1  }
0x46: {  	s1 =	ssub.s32 @!p0 $0x0, s1;
	[sflag:s0] =	ssyncset.done @!p0 $0x0  }
0x47: {  	[sflag:s0] =	ssyncadd.s32 @!p0 s1  }
0x48: {  	[bflag:$0x3] =	sbarrier.arrive $0xFFFF  }
0x49: {  	_ =	shalt  }

// kernel: kernel.7.cloned.1.call-start
scs
__scs_entry_jumppad:
0x0: {  	(pc) =	sbr.rel $0x88, $3  }
0x1: {  	(tag) =	ssettag $0x0;
	lr =	simm.s32 $0x1  }
0x2: {  	[smem:$0x3F98] =	sst lr;
	_ =	strace $0xD0000000  }
0x3: {  	_ = 	snop  }
0x4: {  	_ = 	snop  }
0x5: {  	_ = 	snop  }
0x6: {  	_ = 	snop  }
0x7: {  	_ = 	snop  }
__scs_overlays_trampoline_lowered:
0x8: {  	[smem:$0x3FA7] =	sst s0  }
0x9: {  	[smem:$0x3FA8] =	sst s1  }
0xa: {  	[smem:$0x3FA9] =	sst s2  }
0xb: {  	[smem:$0x3FAA] =	sst s3  }
0xc: {  	[smem:$0x3FAB] =	sst s4  }
0xd: {  	[smem:$0x3FAC] =	sst s5  }
0xe: {  	[smem:$0x3FAD] =	sst s6  }
0xf: {  	[smem:$0x3FAE] =	sst s7  }
0x10: {  	[smem:$0x3FAF] =	sst s8  }
0x11: {  	[smem:$0x3FB0] =	sst s9;
	s0 =	simm.s32 @!p0 $0x0  }
0x12: {  	s1 =	sld [smem:$0x3F96];
	s0 =	simm.s32 @p0 $0x1  }
0x13: {  	[smem:$0x3FB1] =	sst s0;
	s0 =	simm.s32 @!p1 $0x0  }
0x14: {  	s2 =	sld [smem:$0x3F95];
	s0 =	simm.s32 @p1 $0x1  }
0x15: {  	[smem:$0x3FB2] =	sst s0;
	s0 =	simm.s32 @!p2 $0x0  }
0x16: {  	s3 =	sld [smem:$0x3FDB];
	s0 =	simm.s32 @p2 $0x1  }
0x17: {  	s4 =	simm.s32 $0x1BF5;
	[smem:$0x3FB4] =	sst s0  }
0x18: {  	s0 =	sld [smem:$0x3F97];
	_ =	swait.ge [sflag:s4], $0x0  }
0x19: {  	s7 =	sld [smem:$0x3F98]  }
0x1a: {  	s8 =	sadd.s32 $0xFFFFE003, lr  }
0x1b: {  	s9 =	sadd.s32 $0xFFFFFEF7, lr;
	s5 =	simm.s32 $0xFFFFFFFF;
	p2 =	slt.u32 s8, $0xFFFFF086  }
0x1c: {  	p1 =	slt.u32 s9, $0xF7A;
	s5 =	simm.s32 @!p2 $0x0  }
0x1d: {  	s5 =	simm.s32 @p1 $0x1;
	p0 =	seq.s32 s7, s2  }
0x1e: {  	s7 =	smul.u32 @!p0 $0xF7A, s2;
	p2 =	seq.s32 @!p0 s5, $0x0  }
0x1f: {  	s9 =	smul.u32 $0xF7A, s1;
	s8 =	simm.s32 @!p0 $0x1BF5;
	p2 =	por !p2, p0  }
0x20: {  	[sflag:s8] =	ssyncset.s32 @!p0 $0xFFFFF086;
	s6 =	sadd.s32 @!p0 s3, s7;
	s7 =	simm.s32 @!p0 $0x108  }
0x21: {  	s3 =	sadd.s32 s3, s9;
	s6 =	sadd.s32 @!p0 $0x88, s6;
	s7 =	simm.s32 @p2 $0x1082  }
0x22: {  	[simem:s7], [sflag:s8] =	dma.local @!p0 [hbm:s6], $0xF7A  }
0x23: {  	s9 =	sor.u32 $0xD0000000, s2;
	s6 =	simm.s32 $0x108;
	_ =	swait.ge @!p0 [sflag:s8], $0x0  }
0x24: {  	s3 =	sadd.s32 $0x88, s3;
	s6 =	simm.s32 @!p1 $0x1082;
	[sflag:s4] =	ssyncset.s32 $0xFFFFF086  }
0x25: {  	[simem:s6], [sflag:s4] =	dma.local [hbm:s3], $0xF7A  }
0x26: {  	[smem:$0x3F98] =	sst s1;
	(tag) =	ssettag s2;
	_ =	strace s9  }
0x27: {  	s1 =	sld [smem:$0x3FA8]  }
0x28: {  	s2 =	sld [smem:$0x3FA9]  }
0x29: {  	s4 =	sld [smem:$0x3FAB]  }
0x2a: {  	p0 =	seq.s32 s5, $0x0;
	s5 =	sld [smem:$0x3FAC]  }
0x2b: {  	s6 =	sld [smem:$0x3FAD]  }
0x2c: {  	s7 =	sld [smem:$0x3FAE]  }
0x2d: {  	s3 =	simm.s32 $0x108;
	s8 =	sld [smem:$0x3FAF]  }
0x2e: {  	s3 =	simm.s32 @!p0 $0x1082;
	s9 =	sld [smem:$0x3FB0]  }
0x2f: {  	lr =	sadd.s32 s0, s3;
	s0 =	sld [smem:$0x3FA7]  }
0x30: {  	s3 =	sld [smem:$0x3FAA]  }
0x31: {  	[smem:$0x3FB3] =	sst s10  }
0x32: {  	s10 =	sld [smem:$0x3FB1];
	_ =	sdelay $0x3  }
0x33: {  	p0 =	seq.s32 s10, $0x1;
	s10 =	sld [smem:$0x3FB3];
	_ =	sdelay $0x3  }
0x34: {  	[smem:$0x3FB3] =	sst s10  }
0x35: {  	s10 =	sld [smem:$0x3FB2];
	_ =	sdelay $0x3  }
0x36: {  	p1 =	seq.s32 s10, $0x1;
	s10 =	sld [smem:$0x3FB3];
	_ =	sdelay $0x3  }
0x37: {  	[smem:$0x3FB3] =	sst s10  }
0x38: {  	s10 =	sld [smem:$0x3FB4]  }
0x39: {  	_ = 	snop;
	(pc) =	sbr.ind lr, $3  }
0x3a: {  	_ = 	snop  }
0x3b: {  	_ = 	snop  }
0x3c: {  	p2 =	seq.s32 s10, $0x1;
	s10 =	sld [smem:$0x3FB3]  }
0x3d: {  	_ =	shalt  }
0x3e: {  	_ =	shalt  }
0x3f: {  	_ =	shalt  }
0x40: {  	_ =	shalt  }
0x41: {  	_ =	shalt  }
0x42: {  	_ =	shalt  }
0x43: {  	_ =	shalt  }
0x44: {  	_ =	shalt  }
0x45: {  	_ =	shalt  }
0x46: {  	_ =	shalt  }
0x47: {  	_ =	shalt  }
0x48: {  	_ =	shalt  }
0x49: {  	_ =	shalt  }
0x4a: {  	_ =	shalt  }
0x4b: {  	_ =	shalt  }
0x4c: {  	_ =	shalt  }
0x4d: {  	_ =	shalt  }
0x4e: {  	_ =	shalt  }
0x4f: {  	_ =	shalt  }
0x50: {  	_ =	shalt  }
0x51: {  	_ =	shalt  }
0x52: {  	_ =	shalt  }
0x53: {  	_ =	shalt  }
0x54: {  	_ =	shalt  }
0x55: {  	_ =	shalt  }
0x56: {  	_ =	shalt  }
0x57: {  	_ =	shalt  }
0x58: {  	_ =	shalt  }
0x59: {  	_ =	shalt  }
0x5a: {  	_ =	shalt  }
0x5b: {  	_ =	shalt  }
0x5c: {  	_ =	shalt  }
0x5d: {  	_ =	shalt  }
0x5e: {  	_ =	shalt  }
0x5f: {  	_ =	shalt  }
0x60: {  	_ =	shalt  }
0x61: {  	_ =	shalt  }
0x62: {  	_ =	shalt  }
0x63: {  	_ =	shalt  }
0x64: {  	_ =	shalt  }
0x65: {  	_ =	shalt  }
0x66: {  	_ =	shalt  }
0x67: {  	_ =	shalt  }
0x68: {  	_ =	shalt  }
0x69: {  	_ =	shalt  }
0x6a: {  	_ =	shalt  }
0x6b: {  	_ =	shalt  }
0x6c: {  	_ =	shalt  }
0x6d: {  	_ =	shalt  }
0x6e: {  	_ =	shalt  }
0x6f: {  	_ =	shalt  }
0x70: {  	_ =	shalt  }
0x71: {  	_ =	shalt  }
0x72: {  	_ =	shalt  }
0x73: {  	_ =	shalt  }
0x74: {  	_ =	shalt  }
0x75: {  	_ =	shalt  }
0x76: {  	_ =	shalt  }
0x77: {  	_ =	shalt  }
0x78: {  	_ =	shalt  }
0x79: {  	_ =	shalt  }
0x7a: {  	_ =	shalt  }
0x7b: {  	_ =	shalt  }
0x7c: {  	_ =	shalt  }
0x7d: {  	_ =	shalt  }
0x7e: {  	_ =	shalt  }
0x7f: {  	_ =	shalt  }
0x80: {  	_ =	shalt  }
0x81: {  	_ =	shalt  }
0x82: {  	_ =	shalt  }
0x83: {  	_ =	shalt  }
0x84: {  	_ =	shalt  }
0x85: {  	_ =	shalt  }
0x86: {  	_ =	shalt  }
0x87: {  	_ =	shalt  }
.Lfunc_end0:
.L_simem_size_0:
called_computation_lowered:
.L_overlay_start_0:
0x88: {  	s2 =	sld [smem:$0x3FD9]  }
0x89: {  	s3 =	sld [smem:$0x3FFE];
	_ =	sdelay $0x1  }
0x8a: {  	s1 =	srdreg.scid  }
0x8b: {  	s0 =	sand.u32 $0x1, s1  }
0x8c: {  	s16 =	sshll.u32 s0, $0xA;
	s2 =	sadd.s32 s3, s2  }
0x8d: {  	s2 =	sadd.s32 s2, s16  }
0x8e: {  	[smem:$0x3FBF] =	sst s2  }
0x8f: {  	_ = 	snop  }
0x90: {  	(tm) =	ssettm $0x1  }
0x91: {  	s17 =	sld [smem:$0x3FFB];
	_ =	sdelay $0x3  }
0x92: {  	_ =	strace s17  }
0x93: {  	s2 =	sld [smem:$0x3FFC];
	_ =	sdelay $0x3  }
0x94: {  	_ =	strace s2  }
0x95: {  	s2 =	sld [smem:$0x3FFD];
	_ =	sdelay $0x3  }
0x96: {  	_ =	strace s2  }
0x97: {  	_ =	strace $0x8FFFFFFF  }
0x98: {  	s18 =	sld [smem:$0x3FDB];
	_ =	sdelay $0x1  }
0x99: {  	s19 =	simm.s32 $_scs_section_size  }
0x9a: {  	s4 =	simm.s32 $_size__tile_overlayer_lowered;
	s5 =	simm.s32 $_tile_overlayer_lowered  }
0x9b: {  	s22 =	simm.s32 $0x1BFF;
	s21 =	sshll.u32 s5, $0x1;
	s2 =	sadd.s32 s19, s18  }
0x9c: {  	s6 =	simm.s32 $0x0;
	s20 =	sshll.u32 s4, $0x1;
	s4 =	sadd.s32 s21, s2  }
0x9d: {  	[timem:s6], [sflag:s22] =	dma.local [hbm:s4], s20  }
0x9e: {  	_ =	swait.ge [sflag:s22], s20  }
0x9f: {  	s3 =	ssub.s32 $0x0, s20;
	[sflag:s22] =	ssyncset.done $0x0  }
0xa0: {  	[sflag:s22] =	ssyncadd.s32 s3;
	_ =	sdelay $0x1  }
0xa1: {  	s23 =	simm.s32 $0x1B8B  }
0xa2: {  	_ =	swait.ge [sflag:s23], $0x1  }
0xa3: {  	[sflag:s23] =	ssyncset.done $0x0  }
0xa4: {  	s25 =	simm.s32 $0x1B8E;
	s24 =	sld [smem:$0x3FFE];
	[sflag:s23] =	ssyncadd.s32 $0xFFFFFFFF  }
0xa5: {  	s26 =	simm.s32 $execute0_lowered;
	[smem:$0x3FD2] =	sst s25  }
0xa6: {  	s4 =	sshll.u32 s26, $0x1;
	_ =	strace $0x80000046;
	[dreg:$0x1] =	wrdreg $0xFFFFFFFF  }
0xa7: {  	s28 =	simm.s32 $_size_execute0_lowered;
	s2 =	sadd.s32 s2, s4;
	[dreg:$0x0] =	wrdreg $0x0  }
0xa8: {  	s4 =	sshll.u32 s28, $0x1;
	[dreg:$0x2] =	wrdreg s2  }
0xa9: {  	[dreg:$0x3] =	wrdreg s4  }
0xaa: {  	[dreg:$0x4] =	wrdreg $0xC0  }
0xab: {  	_ =	task [dreg:s6], $0x5FFFF  }
0xac: {  	[dreg:$0x1] =	wrdreg $0xFFFFFFFF  }
0xad: {  	[dreg:$0x0] =	wrdreg $0x60  }
0xae: {  	[dreg:$0x2] =	wrdreg s24  }
0xaf: {  	[dreg:$0x3] =	wrdreg $0x68000  }
0xb0: {  	[dreg:$0x4] =	wrdreg $0x9  }
0xb1: {  	_ =	task.clear_ibuf [dreg:s6], $0x5FFFF;
	_ =	strace $0x90000046  }
0xb2: {  	s29 =	simm.s32 $0x9;
	_ =	strace $0x80000048  }
0xb3: {  	_ =	swait.ge [sflag:s29], $0x1  }
0xb4: {  	[sflag:s29] =	ssyncadd.s32 $0xFFFFFFFF  }
0xb5: {  	_ =	strace $0x90000048  }
0xb6: {  	_ =	sfence  }
0xb7: {  	s30 =	sld [smem:$0x0];
	_ =	sdelay $0x2  }
0xb8: {  	s31 =	sshll.u32 s1, $0xD;
	s1 =	sshrl.u32 s1, $0x2  }
0xb9: {  	s3 =	sand.u32 $0x4000, s31;
	s1 =	sadd.s32 s1, s30  }
0xba: {  	s0 =	sor.u32 s3, s0;
	s1 =	sshll.u32 s1, $0x11  }
0xbb: {  	s0 =	sor.u32 s1, s0  }
0xbc: {  	s0 =	sadd.s32 $0x8F2B, s0  }
0xbd: {  	[sflag:s0] =	ssyncadd.remote.s32 $0x1  }
0xbe: {  	_ =	sfence.sel $0xFFFF  }
0xbf: {  	[dreg:$0x0] =	wrdreg $0xFFFFFFFF;
	(pc) =	sbr.abs _section_cstart, $3  }
0xc0: {  	[dreg:$0x1] =	wrdreg $0xFFFFFFFF  }
0xc1: {  	_ =	task.clear_ibuf [dreg:s6], $0x2FFFF;
	_ =	strace $0x9FFFFFFF  }
0xc2: {  	(tm) =	ssettm $0x7FFFFFFF  }
0xc3: {  	_ =	shalt  }
tec
execute0_lowered:
.L_overlay_start_1:
0x0: {  	(tag) =	ssettag $0x1  }
0x1: {  	s5 =	rddreg [dreg:$0x0]  }
0x2: {  	s0 =	srdreg.scid;
	s1 =	stileid.u32  }
0x3: {  	s2 =	rddreg [dreg:$0x1];
	s7 =	smul.u32 $0x13C000, s1  }
0x4: {  	s3 =	simm.s32 $0x0;
	s14 =	simm.s32 $0x0;
	s28 =	smul.u32 $0x14000, s1  }
0x5: {  	s6 =	sand.u32 $0x1, s0;
	s0 =	rddreg [dreg:$0x2];
	s30 =	smul.u32 $0x50000, s1  }
0x6: {  	[smem:$0x7FF] =	sst s3;
	s11 =	sshll.u32 s1, $0x6;
	s4 =	smul.u32 $0x13C0000, s6  }
0x7: {  	s8 =	sshll.u32 s6, $0x4;
	s9 =	smul.u32 $0x140000, s6;
	s31 =	ssub.s32 $0x2, s6  }
0x8: {  	_ =	strace $0x80000047;
	s26 =	sor.u32 s1, s8;
	s6 =	sshrl.u32 s31, $0x1  }
0x9: {  	s4 =	sadd.s32 s7, s4;
	s7 =	smul.u32 $0x500, s26;
	s29 =	sadd.s32 s28, s9  }
0xa: {  	s9 =	sshrl.u32 s30, $0x2;
	s12 =	ssub.s32 s31, s6;
	s4 =	sshrl.u32 s4, $0x3  }
0xb: {  	s8 =	sshrl.u32 s29, $0x3;
	s13 =	sadd.s32 s9, s2;
	s10 =	sadd.s32 s4, s5  }
0xc: {  	s7 =	sadd.s32 s7, s5;
	s4 =	sadd.s32 $0xC400, s5;
	s8 =	sadd.s32 s8, s5  }
0xd: {  	s5 =	sor.u32 $0x1C01, s11;
	s11 =	simm.s32 $0x1;
	s6 =	sadd.s32 $0x2400, s7  }
0xe: {  	s7 =	sadd.s32 $0xEC00, s8;
	s8 =	smax.u32 s12, $0x1;
	s9 =	sadd.s32 $0x9D0400, s10  }
0xf: {  	s10 =	sshrl.u32 s13, $0x3;
	s12 =	simm.s32 $0x4000;
	s13 =	simm.s32 $0x80  }
.LBB2_1:
0x10: {  	[spmem:s10], [sflag:s5] =	dma.local [hbm:s4], $0x2800  }
0x11: {  	_ =	swait.ge [sflag:s11], $0x2800  }
0x12: {  	[sflag:s11] =	ssyncset.done $0x0  }
0x13: {  	[sflag:s11] =	ssyncadd.s32 $0xFFFFD800  }
0x14: {  	[tilespmem:s12], [sflag:$0x1] =	stream.linear.gather [hbm4b:s6+s3], $0x2780, $0x38;
	[tilespmem:$0x1A800] =	vst v63  }
0x15: {  	_ =	swait.ge [sflag:s11], $0x2780  }
0x16: {  	[sflag:s11] =	ssyncset.done $0x0  }
0x17: {  	[sflag:s11] =	ssyncadd.s32 $0xFFFFD880  }
0x18: {  	[bflag:$0x0] =	sbarrier.arrive $0xFFFF  }
0x19: {  	[tilespmem:s3], [sflag:$0x1] =	stream.linear.gather [hbm4b:s9+s3], $0x4000, $0x38;
	[tilespmem:$0x1A800] =	vst v63  }
0x1a: {  	_ =	swait.ge [sflag:s11], $0x4000  }
0x1b: {  	[sflag:s11] =	ssyncset.done $0x0  }
0x1c: {  	s15 =	simm.s32 $0x4000;
	[sflag:s11] =	ssyncadd.s32 $0xFFFFC000  }
0x1d: {  	[spmem:s2] =	stream.indirect.scatter.add.f32 [tilespmem:s3], [sflag:$0x1], $0x80, s15, s13, $0xb8;
	[tilespmem:$0x1A800] =	vst v63  }
0x1e: {  	_ =	swait.ge [sflag:s11], $0x4000  }
0x1f: {  	s16 =	smov.u32 s9;
	s15 =	simm.s32 $0x200;
	[sflag:s11] =	ssyncset.done $0x0  }
.LBB2_2:
0x20: {  	p0 =	sne.s32 s15, $0x9C00;
	[sflag:s11] =	ssyncadd.s32 $0xFFFFC000;
	s16 =	sadd.s32 $0x800, s16  }
0x21: {  	[tilespmem:s3], [sflag:$0x1] =	stream.linear.gather [hbm4b:s16+s3], $0x4000, $0x38;
	[tilespmem:$0x1A800] =	vst v63  }
0x22: {  	s17 =	smov.u32 s15;
	s15 =	sadd.s32 $0x200, s15;
	_ =	swait.ge [sflag:s11], $0x4000  }
.Ltmp0:
0x23: {  	s17 =	sshra.s32 s17, $0x2;
	[sflag:s11] =	ssyncset.done $0x0;
	(pc) =	sbr.rel @p0 .LBB2_2-.Ltmp0, $4  }
0x24: {  	s17 =	sadd.s32 $0x4000, s17;
	[sflag:s11] =	ssyncadd.s32 $0xFFFFC000  }
0x25: {  	[spmem:s2] =	stream.indirect.scatter.add.f32 [tilespmem:s3], [sflag:$0x1], $0x80, s17, s13, $0xb8;
	[tilespmem:$0x1A800] =	vst v63  }
0x26: {  	_ =	swait.ge [sflag:s11], $0x4000  }
0x27: {  	[sflag:s11] =	ssyncset.done $0x0  }
0x28: {  	s14 =	sadd.s32 $0x1, s14  }
0x29: {  	[sflag:s11] =	ssyncadd.s32 $0xFFFFC000;
	p0 =	sne.s32 s14, s8  }
.Ltmp1:
0x2a: {  	[bflag:$0x0] =	sbarrier.arrive $0xFFFF;
	(pc) =	sbr.rel @p0 .LBB2_1-.Ltmp1, $4  }
0x2b: {  	[hbm:s7], [sflag:s5] =	dma.local [spmem:s10], $0x2800  }
0x2c: {  	_ =	swait.ge [sflag:s11], $0x2800  }
0x2d: {  	[sflag:s11] =	ssyncset.done $0x0  }
0x2e: {  	[sflag:s11] =	ssyncadd.s32 $0xFFFFD800  }
0x2f: {  	_ =	sfence.sel $0x180000  }
0x30: {  	[bflag:$0x0] =	sbarrier.arrive $0xFFFF  }
0x31: {  	p0 =	sne.s32 s1, $0x0;
	_ =	strace $0x90000047  }
0x32: {  	s0 =	sadd.s32 @!p0 $0x100000, s0;
	[bflag:$0x2] =	sbarrier.arrive $0xFFFF  }
0x33: {  	[sflag:s0] =	ssyncadd.tile.s32 @!p0 $0x1;
	_ =	shalt  }
.Lfunc_end2:
_tile_overlayer_lowered:
.L_overlay_start_2:
0x34: {  	(tag) =	ssettag $0x2  }
0x35: {  	s0 =	rddreg [dreg:$0x0];
	s2 =	stileid.u32  }
0x36: {  	s1 =	rddreg [dreg:$0x1];
	p0 =	sne.s32 s2, $0x0  }
0x37: {  	s3 =	rddreg [dreg:$0x2];
	[bflag:$0x3] =	sbarrier.arrive $0xFFFF;
	s2 =	simm.s32 @!p0 $0x1C01  }
0x38: {  	[timem:s3], [sflag:s2] =	dma.local @!p0 [hbm:s0], s1  }
0x39: {  	s0 =	simm.s32 @!p0 $0x1  }
0x3a: {  	_ =	swait.ge @!p0 [sflag:s0], s1  }
0x3b: {  	s1 =	ssub.s32 @!p0 $0x0, s1;
	[sflag:s0] =	ssyncset.done @!p0 $0x0  }
0x3c: {  	[sflag:s0] =	ssyncadd.s32 @!p0 s1  }
0x3d: {  	[bflag:$0x3] =	sbarrier.arrive $0xFFFF  }
0x3e: {  	_ =	shalt  }

</sc_bundles>
